<compile_context>
chip_gen: v7x
topology: tpu7x:2x2x1
jax: 0.10.2.dev20260603
libtpu: 0.0.44.dev20260713+nightly
codegen_flags: <defaults>
</compile_context>

<pallas_src>
import functools

import jax
import jax.numpy as jnp
from jax import lax
from jax.experimental import pallas as pl
from jax.experimental.pallas import tpu as pltpu
from jax.experimental.pallas import tpu_sc as plsc

EPS = 0.1
N_ITERS = 50
K = 8.0

B, N, D = 4, 8192, 768
KSEL = 512
N_CHUNK = 1024


def _matvec_body(x_ref, rt_ref, s_ref):
    x = x_ref[:, :, :].reshape(B * N_CHUNK, D)
    rt = rt_ref[0]
    s = jax.lax.dot_general(
        x, rt[:, None],
        dimension_numbers=(((1,), (0,)), ((), ())),
        preferred_element_type=jnp.float32,
        precision=jax.lax.Precision.DEFAULT,
    )
    s_ref[:, :] = s.reshape(B, N_CHUNK)


def _iters_body(s_ref, a_ref):
    s = s_ref[:, :]
    constant = EPS * jnp.log(K)
    inv_eps = jnp.float32(1.0 / EPS)

    def one_iter(_, a):
        u = jnp.minimum(s + a, 0.0) * inv_eps
        ssum = jnp.sum(jnp.exp(u), axis=-1, keepdims=True)
        return a + (constant - EPS * jnp.log(ssum))

    a = jax.lax.fori_loop(
        0, N_ITERS, one_iter, jnp.zeros((B, 1), jnp.float32))
    a_ref[:, :] = a


def _cumsum_lanes(x):
    n = x.shape[1]
    sh = 1
    while sh < n:
        shifted = jnp.concatenate(
            [jnp.zeros((x.shape[0], sh), x.dtype), x[:, :n - sh]], axis=1)
        x = x + shifted
        sh *= 2
    return x


def _topk_body(sc_ref, idx_ref, work_ref, ceq_ref):
    sc = sc_ref[:, :]
    sb = jax.lax.bitcast_convert_type(sc, jnp.int32)
    iota_n = jax.lax.broadcasted_iota(jnp.int32, (B, N), 1)

    cnt_pos = jnp.sum(jnp.where(sb > 0, 1, 0), axis=1, keepdims=True)

    def bisect_all(_):
        def bisect_step(_, carry):
            lo, hi = carry
            mid = (lo + hi) // 2
            cnt = jnp.sum(jnp.where(sb >= mid, 1, 0), axis=1, keepdims=True)
            ok = cnt >= KSEL
            return (jnp.where(ok, mid, lo), jnp.where(ok, hi, mid))

        lo0 = jnp.zeros((B, 1), jnp.int32)
        hi0 = jnp.full((B, 1), 0x3F800001, jnp.int32)
        lo, _ = jax.lax.fori_loop(0, 31, bisect_step, (lo0, hi0))
        return lo

    t = jax.lax.cond(
        jnp.all(cnt_pos < KSEL),
        lambda _: jnp.zeros((B, 1), jnp.int32),
        bisect_all,
        operand=0,
    )

    mask_gt = sb > t
    g = jnp.sum(jnp.where(mask_gt, 1, 0), axis=1, keepdims=True)

    work_ref[:, :] = jnp.where(mask_gt, sc, -1.0)
    max_g = jnp.max(g)
    slot_iota = jax.lax.broadcasted_iota(jnp.int32, (B, KSEL), 1)

    def extract_step(p, gslot):
        w = work_ref[:, :]
        m = jnp.max(w, axis=1, keepdims=True)
        amin = jnp.min(jnp.where(w == m, iota_n, N), axis=1, keepdims=True)
        work_ref[:, :] = jnp.where(iota_n == amin, -1.0, w)
        return jnp.where(slot_iota == p, amin, gslot)

    gslot = jax.lax.fori_loop(
        0, max_g, extract_step, jnp.zeros((B, KSEL), jnp.int32))

    ceq_ref[:, :] = _cumsum_lanes(jnp.where(sb == t, 1, 0))
    lim = slot_iota - g
    CHN = 512

    def nchunk_step(j, acc):
        cc = ceq_ref[:, pl.ds(j * CHN, CHN)]
        part = jnp.sum(
            jnp.where(cc[:, None, :] <= lim[:, :, None], 1, 0), axis=2)
        return acc + part

    pmax = jnp.max(jnp.sum(jnp.where(ceq_ref[:, :] <= KSEL, 1, 0), axis=1))
    nchunks = (pmax + CHN - 1) // CHN
    eqpos = jax.lax.fori_loop(
        0, nchunks, nchunk_step, jnp.zeros((B, KSEL), jnp.int32))

    idx_ref[:, :] = jnp.where(slot_iota < g, gslot, eqpos)


_SC_L = 16
_SC_NV = N // _SC_L


def _sc_topk_body(sc_hbm, out_hbm, row_v, candv_v, candi_v, out_v):
    wid = lax.axis_index("s") * 2 + lax.axis_index("c")

    @pl.when(wid < B)
    def _():
        pltpu.sync_copy(sc_hbm.at[wid], row_v)
        iota16 = lax.broadcasted_iota(jnp.int32, (_SC_L,), 0)

        def vload(i):
            return row_v[pl.ds(i * _SC_L, _SC_L)]

        def cursor_max(vals_ref, nv, lb, li):
            def scan_body(j, acc):
                ab, ai = acc
                v = vals_ref[pl.ds(j * _SC_L, _SC_L)]
                iv = iota16 + j * _SC_L
                elig = (v < lb) | ((v == lb) & (iv > li))
                v = jnp.where(elig, v, -1.0)
                iv = jnp.where(elig, iv, N)
                better = (v > ab) | ((v == ab) & (iv < ai))
                return (jnp.where(better, v, ab), jnp.where(better, iv, ai))

            ab, ai = lax.fori_loop(
                0, nv, scan_body,
                (jnp.full((_SC_L,), -1.0, jnp.float32),
                 jnp.full((_SC_L,), N, jnp.int32)))
            mb = jnp.max(ab)
            mi = jnp.min(jnp.where(ab == mb, ai, N))
            return mb, mi

        def store_slot(p, val):
            plsc.store_scatter(out_v, [jnp.full((_SC_L,), p, jnp.int32)],
                               jnp.full((_SC_L,), val, jnp.int32),
                               mask=iota16 == 0)

        def cnt_body(i, acc):
            return acc + jnp.where(vload(i) > 0.0, 1, 0)

        cnt_pos = jnp.sum(
            lax.fori_loop(0, _SC_NV, cnt_body, jnp.zeros((_SC_L,), jnp.int32)))

        @pl.when(cnt_pos < KSEL)
        def fast_path():
            def comp_body(i, base):
                v = vload(i)
                m = v > 0.0
                pc = plsc.cumsum(jnp.where(m, 1, 0))
                dest = base + pc - 1
                plsc.store_scatter(candv_v, [dest], v, mask=m)
                plsc.store_scatter(candi_v, [dest], iota16 + i * _SC_L,
                                   mask=m)
                return base + jnp.sum(jnp.where(m, 1, 0))

            g = lax.fori_loop(0, _SC_NV, comp_body, 0)

            def pad_body(i, _):
                dest = iota16 + i * _SC_L
                m = dest >= g
                plsc.store_scatter(candv_v, [dest],
                                   jnp.full((_SC_L,), -1.0, jnp.float32),
                                   mask=m)
                return 0

            lax.fori_loop(0, KSEL // _SC_L, pad_body, 0)

            def cext_body(p, carry):
                lb, li = carry

                def scan_body(j, acc):
                    ab, ai = acc
                    v = candv_v[pl.ds(j * _SC_L, _SC_L)]
                    iv = candi_v[pl.ds(j * _SC_L, _SC_L)]
                    elig = (v < lb) | ((v == lb) & (iv > li))
                    v = jnp.where(elig, v, -1.0)
                    iv = jnp.where(elig, iv, N)
                    better = (v > ab) | ((v == ab) & (iv < ai))
                    return (jnp.where(better, v, ab),
                            jnp.where(better, iv, ai))

                ab, ai = lax.fori_loop(
                    0, (g + _SC_L - 1) // _SC_L, scan_body,
                    (jnp.full((_SC_L,), -1.0, jnp.float32),
                     jnp.full((_SC_L,), N, jnp.int32)))
                mb = jnp.max(ab)
                mi = jnp.min(jnp.where(ab == mb, ai, N))
                store_slot(p, mi)
                return (mb, mi)

            lax.fori_loop(0, g, cext_body, (jnp.float32(2.0), -1))

            def eq_cond(carry):
                i, cnt = carry
                return (i < _SC_NV) & (cnt < KSEL - g)

            def eq_body(carry):
                i, cnt = carry
                m = vload(i) == 0.0
                pc = plsc.cumsum(jnp.where(m, 1, 0))
                dest = g + cnt + pc - 1
                plsc.store_scatter(out_v, [dest], iota16 + i * _SC_L,
                                   mask=m & (dest < KSEL))
                return (i + 1, cnt + jnp.sum(jnp.where(m, 1, 0)))

            lax.while_loop(eq_cond, eq_body, (0, 0))

        @pl.when(cnt_pos >= KSEL)
        def general_path():
            def ext_body(p, carry):
                lb, li = carry
                mb, mi = cursor_max(row_v, _SC_NV, lb, li)
                store_slot(p, mi)
                return (mb, mi)

            nslots = jnp.where(cnt_pos >= KSEL, KSEL, 0)
            lax.fori_loop(0, nslots, ext_body, (jnp.float32(2.0), -1))

        pltpu.sync_copy(out_v, out_hbm.at[wid])


def _sc_topk(scores):
    return pl.kernel(
        _sc_topk_body,
        out_type=jax.ShapeDtypeStruct((B, KSEL), jnp.int32),
        mesh=plsc.VectorSubcoreMesh(core_axis_name="c", subcore_axis_name="s"),
        compiler_params=pltpu.CompilerParams(needs_layout_passes=False),
        scratch_types=[
            pltpu.VMEM((N,), jnp.float32),
            pltpu.VMEM((KSEL,), jnp.float32),
            pltpu.VMEM((KSEL,), jnp.int32),
            pltpu.VMEM((KSEL,), jnp.int32),
        ],
    )(scores)


def _compute(x, rt):
    s = pl.pallas_call(
        _matvec_body,
        grid=(N // N_CHUNK,),
        in_specs=[
            pl.BlockSpec((B, N_CHUNK, D), lambda j: (0, j, 0)),
            pl.BlockSpec((1, D), lambda j: (0, 0)),
        ],
        out_specs=pl.BlockSpec((B, N_CHUNK), lambda j: (0, j)),
        out_shape=jax.ShapeDtypeStruct((B, N), jnp.float32),
    )(x, rt[None, :])

    a = pl.pallas_call(
        _iters_body,
        out_shape=jax.ShapeDtypeStruct((B, 1), jnp.float32),
    )(s)

    bfin = -jax.nn.relu(s + a)
    scores = jnp.exp((s + a + bfin) / EPS)

    return _sc_topk(scores)


def kernel(x, routing_token, num_tokens):
    n = x.shape[-2]
    num_tokens = jnp.minimum(num_tokens, n)
    idx = _compute(x, routing_token)
    valid = jnp.arange(KSEL) < num_tokens
    sel_scores = jnp.broadcast_to(
        jnp.where(valid, 1.0, 0.0).astype(jnp.float32), (x.shape[0], KSEL))
    sel_idx = jnp.where(valid, idx, 0)
    return (sel_scores, sel_idx)

# --- scband reference (transcript-rebuilt; emitter-appended) ---
"""Pipeline reference for scband-coordinate-descent-65463891526110 (READ-ONLY COPY).

The authoritative reference and input builder live on the scoring server;
editing this copy changes nothing except your own understanding.
"""

import jax, jax.numpy as jnp
import numpy as np

EPS = 0.1
N_ITERS = 50
K = 8.0


def setup_inputs(seed: int = 0) -> dict:
    key = jax.random.key(seed)
    k1, k2 = jax.random.split(key)
    x = jax.random.normal(k1, (4, 8192, 768), dtype=jnp.float32)
    routing_token = jax.random.normal(k2, (768,), dtype=jnp.float32)
    return {"x": x, "routing_token": routing_token, "num_tokens": 512}


def reference(x, routing_token, num_tokens):
    n = x.shape[-2]
    k_static = min(512, n)
    num_tokens = jnp.minimum(num_tokens, n)
    # s = einsum('b n d, d -> b n', x, routing_token)
    s = jnp.einsum('bnd,d->bn', x, routing_token)
    constant = EPS * jnp.log(K)
    b = -jax.nn.relu(s)
    a = jnp.zeros((s.shape[0], 1), dtype=s.dtype)
    for _ in range(N_ITERS):
        a = constant - EPS * jax.nn.logsumexp((s + b) / EPS, axis=-1, keepdims=True)
        b = -jax.nn.relu(s + a)
    scores = jnp.exp((s + a + b) / EPS)
    selected_scores, selected_indices = jax.lax.top_k(scores, k_static)
    # straight-through: value becomes 1.0, gradient flows through selected_scores
    selected_scores = selected_scores + jax.lax.stop_gradient(1.0 - selected_scores)
    valid = jnp.arange(k_static) < num_tokens
    selected_scores = jnp.where(valid, selected_scores, jnp.zeros((), dtype=selected_scores.dtype))
    selected_indices = jnp.where(valid, selected_indices, jnp.zeros((), dtype=selected_indices.dtype))
    return (selected_scores, selected_indices)

if __name__ == "__main__":
    import jax
    _d = setup_inputs()
    print(jax.jit(kernel)(*tuple(_d.values())))

</pallas_src>

<mosaic_0001>
#map = affine_map<(d0, d1) -> (0, 0)>
module attributes {stable_mosaic.version = 14 : i64} {
  func.func @_sc_topk_body(%arg0: i32, %arg1: i32, %arg2: memref<4x8192xf32, #tpu.memory_space<hbm>>, %arg3: memref<4x512xi32, #tpu.memory_space<hbm>>, %arg4: memref<8192xf32, #tpu.memory_space<vmem>>, %arg5: memref<512xf32, #tpu.memory_space<vmem>>, %arg6: memref<512xi32, #tpu.memory_space<vmem>>, %arg7: memref<512xi32, #tpu.memory_space<vmem>>) attributes {dimension_semantics = [#tpu.dimension_semantics<core_parallel>, #tpu.dimension_semantics<subcore_parallel>], iteration_bounds = array<i64: 2, 16>, scalar_prefetch = 0 : i64, scratch_operands = 4 : i64, tpu.core_type = #tpu.core_type<sc_vector_subcore>, window_params = [{transform_indices = #map}, {transform_indices = #map}]} {
    %mul3A = arith.constant 2 : i32
    %mul3A_0 = arith.muli %arg1, %mul3A : i32
    %add3A = arith.addi %mul3A_0, %arg0 : i32
    %lt3A = arith.constant 4 : i32
    %lt3A_1 = arith.cmpi slt, %add3A, %lt3A : i32
    %convert_element_type3A = arith.extui %lt3A_1 : i1 to i32
    %cond3A = arith.constant 0 : i32
    %cond3A_2 = arith.cmpi ne, %convert_element_type3A, %cond3A : i32
    scf.if %cond3A_2 {
      "tpu.region"() ({
        %run_scoped3A = tpu.sem_alloc : memref<!tpu.dma_semaphore, #tpu.memory_space<semaphore_mem>>
        %dma_start3A = arith.constant 0 : i32
        %dma_start3A_21 = tpu.memref_slice %arg2[%add3A, %dma_start3A] : memref<4x8192xf32, #tpu.memory_space<hbm>> -> memref<1x8192xf32, #tpu.memory_space<hbm>>
        %dma_start3A_22 = tpu.memref_squeeze %dma_start3A_21 : memref<1x8192xf32, #tpu.memory_space<hbm>> -> memref<8192xf32, #tpu.memory_space<hbm>>
        %dma_start3A_23 = arith.constant 0 : i32
        %dma_start3A_24 = tpu.memref_slice %arg2[%add3A, %dma_start3A_23] : memref<4x8192xf32, #tpu.memory_space<hbm>> -> memref<1x8192xf32, #tpu.memory_space<hbm>>
        %dma_start3A_25 = tpu.memref_squeeze %dma_start3A_24 : memref<1x8192xf32, #tpu.memory_space<hbm>> -> memref<8192xf32, #tpu.memory_space<hbm>>
        tpu.enqueue_dma source(%dma_start3A_25 : memref<8192xf32, #tpu.memory_space<hbm>>) target(%arg4 : memref<8192xf32, #tpu.memory_space<vmem>>) target_semaphore(%run_scoped3A : memref<!tpu.dma_semaphore, #tpu.memory_space<semaphore_mem>>)
        %dma_wait3A = arith.constant 0 : i32
        %dma_wait3A_26 = tpu.memref_slice %arg2[%add3A, %dma_wait3A] : memref<4x8192xf32, #tpu.memory_space<hbm>> -> memref<1x8192xf32, #tpu.memory_space<hbm>>
        %dma_wait3A_27 = tpu.memref_squeeze %dma_wait3A_26 : memref<1x8192xf32, #tpu.memory_space<hbm>> -> memref<8192xf32, #tpu.memory_space<hbm>>
        %dma_wait3A_28 = arith.constant 0 : i32
        %dma_wait3A_29 = tpu.memref_slice %arg2[%add3A, %dma_wait3A_28] : memref<4x8192xf32, #tpu.memory_space<hbm>> -> memref<1x8192xf32, #tpu.memory_space<hbm>>
        %dma_wait3A_30 = tpu.memref_squeeze %dma_wait3A_29 : memref<1x8192xf32, #tpu.memory_space<hbm>> -> memref<8192xf32, #tpu.memory_space<hbm>>
        tpu.wait_dma2 semaphore(%run_scoped3A : memref<!tpu.dma_semaphore, #tpu.memory_space<semaphore_mem>>) src(%dma_wait3A_30 : memref<8192xf32, #tpu.memory_space<hbm>>) dst(%arg4 : memref<8192xf32, #tpu.memory_space<vmem>>)
        tpu.yield
      }) : () -> ()
      %iota3A = tpu.iota {dimensions = array<i32: 0>} : vector<16xi32>
      %broadcast_in_dim3A = arith.constant 0 : i32
      %broadcast_in_dim3A_3 = vector.broadcast %broadcast_in_dim3A : i32 to vector<16xi32>
      %scan3A = arith.constant 0 : i32
      %scan3A_4 = arith.constant 512 : i32
      %scan3A_5 = arith.addi %scan3A, %scan3A_4 : i32
      %scan3A_6 = arith.constant 1 : i32
      %scan3A_7 = scf.for %scan3A_21 = %scan3A to %scan3A_5 step %scan3A_6 iter_args(%scan3A_22 = %broadcast_in_dim3A_3) -> (vector<16xi32>)  : i32 {
        %mul3A_23 = arith.constant 16 : i32
        %mul3A_24 = arith.muli %scan3A_21, %mul3A_23 : i32
        %get3A = arith.index_cast %mul3A_24 : i32 to index
        %get3A_25 = tpu.vector_load %arg4[%get3A] {strides = array<i32>} : memref<8192xf32, #tpu.memory_space<vmem>>, vector<16xf32>,
        %gt3A = arith.constant 0.000000e+00 : f32
        %gt3A_26 = vector.broadcast %gt3A : f32 to vector<16xf32>
        %gt3A_27 = arith.cmpf ogt, %get3A_25, %gt3A_26 : vector<16xf32>
        %jit3A = arith.constant 1 : i32
        %jit3A_28 = arith.constant 0 : i32
        %broadcast_in_dim3A_29 = vector.broadcast %jit3A : i32 to vector<16xi32>
        %broadcast_in_dim3A_30 = vector.broadcast %jit3A_28 : i32 to vector<16xi32>
        %select_n3A = arith.select %gt3A_27, %broadcast_in_dim3A_29, %broadcast_in_dim3A_30 : vector<16xi1>, vector<16xi32>
        %add3A_31 = arith.addi %scan3A_22, %select_n3A : vector<16xi32>
        scf.yield %add3A_31 : vector<16xi32>
      }
      %scan3A_8 = arith.constant 512 : i32
      %reduce_sum3A = arith.constant true
      %reduce_sum3A_9 = vector.broadcast %reduce_sum3A : i1 to vector<16xi1>
      %reduce_sum3A_10 = tpu.scan <sum>, %scan3A_7 masked %reduce_sum3A_9 : vector<16xi32>, vector<16xi1> -> vector<16xi32>
      %reduce_sum3A_11 = vector.extract %reduce_sum3A_10[15] : i32 from vector<16xi32>
      %lt3A_12 = arith.constant 512 : i32
      %lt3A_13 = arith.cmpi slt, %reduce_sum3A_11, %lt3A_12 : i32
      %convert_element_type3A_14 = arith.extui %lt3A_13 : i1 to i32
      %cond3A_15 = arith.constant 0 : i32
      %cond3A_16 = arith.cmpi ne, %convert_element_type3A_14, %cond3A_15 : i32
      scf.if %cond3A_16 {
        %scan3A_21 = arith.constant 0 : i32
        %scan3A_22 = arith.constant 0 : i32
        %scan3A_23 = arith.constant 512 : i32
        %scan3A_24 = arith.addi %scan3A_22, %scan3A_23 : i32
        %scan3A_25 = arith.constant 1 : i32
        %scan3A_26 = scf.for %scan3A_50 = %scan3A_22 to %scan3A_24 step %scan3A_25 iter_args(%scan3A_51 = %scan3A_21) -> (i32)  : i32 {
          %mul3A_52 = arith.constant 16 : i32
          %mul3A_53 = arith.muli %scan3A_50, %mul3A_52 : i32
          %get3A = arith.index_cast %mul3A_53 : i32 to index
          %get3A_54 = tpu.vector_load %arg4[%get3A] {strides = array<i32>} : memref<8192xf32, #tpu.memory_space<vmem>>, vector<16xf32>,
          %gt3A = arith.constant 0.000000e+00 : f32
          %gt3A_55 = vector.broadcast %gt3A : f32 to vector<16xf32>
          %gt3A_56 = arith.cmpf ogt, %get3A_54, %gt3A_55 : vector<16xf32>
          %jit3A = arith.constant 1 : i32
          %jit3A_57 = arith.constant 0 : i32
          %broadcast_in_dim3A_58 = vector.broadcast %jit3A : i32 to vector<16xi32>
          %broadcast_in_dim3A_59 = vector.broadcast %jit3A_57 : i32 to vector<16xi32>
          %select_n3A = arith.select %gt3A_56, %broadcast_in_dim3A_58, %broadcast_in_dim3A_59 : vector<16xi1>, vector<16xi32>
          %broadcast_in_dim3A_60 = arith.constant true
          %broadcast_in_dim3A_61 = vector.broadcast %broadcast_in_dim3A_60 : i1 to vector<16xi1>
          %masked_cumsum3A = tpu.scan <sum>, %select_n3A masked %broadcast_in_dim3A_61 : vector<16xi32>, vector<16xi1> -> vector<16xi32>
          %add3A_62 = vector.broadcast %scan3A_51 : i32 to vector<16xi32>
          %add3A_63 = arith.addi %add3A_62, %masked_cumsum3A : vector<16xi32>
          %sub3A = arith.constant 1 : i32
          %sub3A_64 = vector.broadcast %sub3A : i32 to vector<16xi32>
          %sub3A_65 = arith.subi %add3A_63, %sub3A_64 : vector<16xi32>
          tpu.vector_store_idx %arg5[%sub3A_65], %get3A_54 masked %gt3A_56 : memref<512xf32, #tpu.memory_space<vmem>>[vector<16xi32>], vector<16xf32>, vector<16xi1>
          %mul3A_66 = arith.constant 16 : i32
          %mul3A_67 = arith.muli %scan3A_50, %mul3A_66 : i32
          %add3A_68 = vector.broadcast %mul3A_67 : i32 to vector<16xi32>
          %add3A_69 = arith.addi %iota3A, %add3A_68 : vector<16xi32>
          tpu.vector_store_idx %arg6[%sub3A_65], %add3A_69 masked %gt3A_56 : memref<512xi32, #tpu.memory_space<vmem>>[vector<16xi32>], vector<16xi32>, vector<16xi1>
          %jit3A_70 = arith.constant 1 : i32
          %jit3A_71 = arith.constant 0 : i32
          %broadcast_in_dim3A_72 = vector.broadcast %jit3A_70 : i32 to vector<16xi32>
          %broadcast_in_dim3A_73 = vector.broadcast %jit3A_71 : i32 to vector<16xi32>
          %select_n3A_74 = arith.select %gt3A_56, %broadcast_in_dim3A_72, %broadcast_in_dim3A_73 : vector<16xi1>, vector<16xi32>
          %reduce_sum3A_75 = arith.constant true
          %reduce_sum3A_76 = vector.broadcast %reduce_sum3A_75 : i1 to vector<16xi1>
          %reduce_sum3A_77 = tpu.scan <sum>, %select_n3A_74 masked %reduce_sum3A_76 : vector<16xi32>, vector<16xi1> -> vector<16xi32>
          %reduce_sum3A_78 = vector.extract %reduce_sum3A_77[15] : i32 from vector<16xi32>
          %add3A_79 = arith.addi %scan3A_51, %reduce_sum3A_78 : i32
          scf.yield %add3A_79 : i32
        }
        %scan3A_27 = arith.constant 512 : i32
        %scan3A_28 = arith.constant 0 : i32
        %scan3A_29 = arith.constant 0 : i32
        %scan3A_30 = arith.constant 32 : i32
        %scan3A_31 = arith.addi %scan3A_29, %scan3A_30 : i32
        %scan3A_32 = arith.constant 1 : i32
        %scan3A_33 = scf.for %scan3A_50 = %scan3A_29 to %scan3A_31 step %scan3A_32 iter_args(%scan3A_51 = %scan3A_28) -> (i32)  : i32 {
          %mul3A_52 = arith.constant 16 : i32
          %mul3A_53 = arith.muli %scan3A_50, %mul3A_52 : i32
          %add3A_54 = vector.broadcast %mul3A_53 : i32 to vector<16xi32>
          %add3A_55 = arith.addi %iota3A, %add3A_54 : vector<16xi32>
          %ge3A_56 = vector.broadcast %scan3A_26 : i32 to vector<16xi32>
          %ge3A_57 = arith.cmpi sge, %add3A_55, %ge3A_56 : vector<16xi32>
          %broadcast_in_dim3A_58 = arith.constant -1.000000e+00 : f32
          %broadcast_in_dim3A_59 = vector.broadcast %broadcast_in_dim3A_58 : f32 to vector<16xf32>
          tpu.vector_store_idx %arg5[%add3A_55], %broadcast_in_dim3A_59 masked %ge3A_57 : memref<512xf32, #tpu.memory_space<vmem>>[vector<16xi32>], vector<16xf32>, vector<16xi1>
          %scan3A_60 = arith.constant 0 : i32
          scf.yield %scan3A_60 : i32
        }
        %scan3A_34 = arith.constant 32 : i32
        %while3A = arith.constant 0 : i32
        %while3A_35 = arith.constant 2.000000e+00 : f32
        %while3A_36 = arith.constant -1 : i32
        %while3A_37 = arith.subi %scan3A_26, %while3A : i32
        %while3A_38 = arith.addi %while3A, %while3A_37 : i32
        %while3A_39 = arith.constant 1 : i32
        %while3A_40 = arith.divsi %while3A_37, %while3A_39 : i32
        %while3A_41 = arith.muli %while3A_40, %while3A_39 : i32
        %while3A_42 = arith.addi %while3A, %while3A_41 : i32
        %while3A_43 = arith.constant 1 : i32
        %while3A_44:2 = scf.for %while3A_50 = %while3A to %while3A_42 step %while3A_43 iter_args(%while3A_51 = %while3A_35, %while3A_52 = %while3A_36) -> (f32, i32)  : i32 {
          %add3A_53 = arith.constant 16 : i32
          %add3A_54 = arith.addi %scan3A_26, %add3A_53 : i32
          %sub3A = arith.constant 1 : i32
          %sub3A_55 = arith.subi %add3A_54, %sub3A : i32
          %jit3A = arith.constant 16 : i32
          %div3A = arith.divsi %sub3A_55, %jit3A : i32
          %sign3A = arith.constant 0 : i32
          %sign3A_56 = arith.cmpi sgt, %sub3A_55, %sign3A : i32
          %sign3A_57 = arith.extui %sign3A_56 : i1 to i32
          %sign3A_58 = arith.constant 0 : i32
          %sign3A_59 = arith.cmpi slt, %sub3A_55, %sign3A_58 : i32
          %sign3A_60 = arith.extui %sign3A_59 : i1 to i32
          %sign3A_61 = arith.subi %sign3A_57, %sign3A_60 : i32
          %sign3A_62 = arith.constant 0 : i32
          %sign3A_63 = arith.cmpi sgt, %jit3A, %sign3A_62 : i32
          %sign3A_64 = arith.extui %sign3A_63 : i1 to i32
          %sign3A_65 = arith.constant 0 : i32
          %sign3A_66 = arith.cmpi slt, %jit3A, %sign3A_65 : i32
          %sign3A_67 = arith.extui %sign3A_66 : i1 to i32
          %sign3A_68 = arith.subi %sign3A_64, %sign3A_67 : i32
          %ne3A = arith.cmpi ne, %sign3A_61, %sign3A_68 : i32
          %rem3A = arith.remsi %sub3A_55, %jit3A : i32
          %ne3A_69 = arith.constant 0 : i32
          %ne3A_70 = arith.cmpi ne, %rem3A, %ne3A_69 : i32
          %and3A = arith.andi %ne3A, %ne3A_70 : i1
          %sub3A_71 = arith.constant 1 : i32
          %sub3A_72 = arith.subi %div3A, %sub3A_71 : i32
          %select_n3A = arith.select %and3A, %sub3A_72, %div3A : i32
          %broadcast_in_dim3A_73 = arith.constant -1.000000e+00 : f32
          %broadcast_in_dim3A_74 = vector.broadcast %broadcast_in_dim3A_73 : f32 to vector<16xf32>
          %broadcast_in_dim3A_75 = arith.constant 8192 : i32
          %broadcast_in_dim3A_76 = vector.broadcast %broadcast_in_dim3A_75 : i32 to vector<16xi32>
          %while3A_77 = arith.constant 0 : i32
          %while3A_78 = arith.subi %select_n3A, %while3A_77 : i32
          %while3A_79 = arith.addi %while3A_77, %while3A_78 : i32
          %while3A_80 = arith.constant 1 : i32
          %while3A_81 = arith.divsi %while3A_78, %while3A_80 : i32
          %while3A_82 = arith.muli %while3A_81, %while3A_80 : i32
          %while3A_83 = arith.addi %while3A_77, %while3A_82 : i32
          %while3A_84 = arith.constant 1 : i32
          %while3A_85:2 = scf.for %while3A_107 = %while3A_77 to %while3A_83 step %while3A_84 iter_args(%while3A_108 = %broadcast_in_dim3A_74, %while3A_109 = %broadcast_in_dim3A_76) -> (vector<16xf32>, vector<16xi32>)  : i32 {
            %mul3A_110 = arith.constant 16 : i32
            %mul3A_111 = arith.muli %while3A_107, %mul3A_110 : i32
            %get3A = arith.index_cast %mul3A_111 : i32 to index
            %get3A_112 = tpu.vector_load %arg5[%get3A] {strides = array<i32>} : memref<512xf32, #tpu.memory_space<vmem>>, vector<16xf32>,
            %mul3A_113 = arith.constant 16 : i32
            %mul3A_114 = arith.muli %while3A_107, %mul3A_113 : i32
            %get3A_115 = arith.index_cast %mul3A_114 : i32 to index
            %get3A_116 = tpu.vector_load %arg6[%get3A_115] {strides = array<i32>} : memref<512xi32, #tpu.memory_space<vmem>>, vector<16xi32>,
            %lt3A_117 = vector.broadcast %while3A_51 : f32 to vector<16xf32>
            %lt3A_118 = arith.cmpf olt, %get3A_112, %lt3A_117 : vector<16xf32>
            %eq3A_119 = vector.broadcast %while3A_51 : f32 to vector<16xf32>
            %eq3A_120 = arith.cmpf oeq, %get3A_112, %eq3A_119 : vector<16xf32>
            %gt3A = vector.broadcast %while3A_52 : i32 to vector<16xi32>
            %gt3A_121 = arith.cmpi sgt, %get3A_116, %gt3A : vector<16xi32>
            %and3A_122 = arith.andi %eq3A_120, %gt3A_121 : vector<16xi1>
            %or3A = arith.ori %lt3A_118, %and3A_122 : vector<16xi1>
            %jit3A_123 = arith.constant -1.000000e+00 : f32
            %broadcast_in_dim3A_124 = vector.broadcast %jit3A_123 : f32 to vector<16xf32>
            %select_n3A_125 = arith.select %or3A, %get3A_112, %broadcast_in_dim3A_124 : vector<16xi1>, vector<16xf32>
            %jit3A_126 = arith.constant 8192 : i32
            %broadcast_in_dim3A_127 = vector.broadcast %jit3A_126 : i32 to vector<16xi32>
            %select_n3A_128 = arith.select %or3A, %get3A_116, %broadcast_in_dim3A_127 : vector<16xi1>, vector<16xi32>
            %gt3A_129 = arith.cmpf ogt, %select_n3A_125, %while3A_108 : vector<16xf32>
            %eq3A_130 = arith.cmpf oeq, %select_n3A_125, %while3A_108 : vector<16xf32>
            %lt3A_131 = arith.cmpi slt, %select_n3A_128, %while3A_109 : vector<16xi32>
            %and3A_132 = arith.andi %eq3A_130, %lt3A_131 : vector<16xi1>
            %or3A_133 = arith.ori %gt3A_129, %and3A_132 : vector<16xi1>
            %select_n3A_134 = arith.select %or3A_133, %select_n3A_125, %while3A_108 : vector<16xi1>, vector<16xf32>
            %select_n3A_135 = arith.select %or3A_133, %select_n3A_128, %while3A_109 : vector<16xi1>, vector<16xi32>
            scf.yield %select_n3A_134, %select_n3A_135 : vector<16xf32>, vector<16xi32>
          }
          %while3A_86 = arith.constant 1 : i32
          %while3A_87:2 = scf.for %while3A_107 = %while3A_83 to %while3A_79 step %while3A_86 iter_args(%while3A_108 = %while3A_85#0, %while3A_109 = %while3A_85#1) -> (vector<16xf32>, vector<16xi32>)  : i32 {
            %mul3A_110 = arith.constant 16 : i32
            %mul3A_111 = arith.muli %while3A_107, %mul3A_110 : i32
            %get3A = arith.index_cast %mul3A_111 : i32 to index
            %get3A_112 = tpu.vector_load %arg5[%get3A] {strides = array<i32>} : memref<512xf32, #tpu.memory_space<vmem>>, vector<16xf32>,
            %mul3A_113 = arith.constant 16 : i32
            %mul3A_114 = arith.muli %while3A_107, %mul3A_113 : i32
            %get3A_115 = arith.index_cast %mul3A_114 : i32 to index
            %get3A_116 = tpu.vector_load %arg6[%get3A_115] {strides = array<i32>} : memref<512xi32, #tpu.memory_space<vmem>>, vector<16xi32>,
            %lt3A_117 = vector.broadcast %while3A_51 : f32 to vector<16xf32>
            %lt3A_118 = arith.cmpf olt, %get3A_112, %lt3A_117 : vector<16xf32>
            %eq3A_119 = vector.broadcast %while3A_51 : f32 to vector<16xf32>
            %eq3A_120 = arith.cmpf oeq, %get3A_112, %eq3A_119 : vector<16xf32>
            %gt3A = vector.broadcast %while3A_52 : i32 to vector<16xi32>
            %gt3A_121 = arith.cmpi sgt, %get3A_116, %gt3A : vector<16xi32>
            %and3A_122 = arith.andi %eq3A_120, %gt3A_121 : vector<16xi1>
            %or3A = arith.ori %lt3A_118, %and3A_122 : vector<16xi1>
            %jit3A_123 = arith.constant -1.000000e+00 : f32
            %broadcast_in_dim3A_124 = vector.broadcast %jit3A_123 : f32 to vector<16xf32>
            %select_n3A_125 = arith.select %or3A, %get3A_112, %broadcast_in_dim3A_124 : vector<16xi1>, vector<16xf32>
            %jit3A_126 = arith.constant 8192 : i32
            %broadcast_in_dim3A_127 = vector.broadcast %jit3A_126 : i32 to vector<16xi32>
            %select_n3A_128 = arith.select %or3A, %get3A_116, %broadcast_in_dim3A_127 : vector<16xi1>, vector<16xi32>
            %gt3A_129 = arith.cmpf ogt, %select_n3A_125, %while3A_108 : vector<16xf32>
            %eq3A_130 = arith.cmpf oeq, %select_n3A_125, %while3A_108 : vector<16xf32>
            %lt3A_131 = arith.cmpi slt, %select_n3A_128, %while3A_109 : vector<16xi32>
            %and3A_132 = arith.andi %eq3A_130, %lt3A_131 : vector<16xi1>
            %or3A_133 = arith.ori %gt3A_129, %and3A_132 : vector<16xi1>
            %select_n3A_134 = arith.select %or3A_133, %select_n3A_125, %while3A_108 : vector<16xi1>, vector<16xf32>
            %select_n3A_135 = arith.select %or3A_133, %select_n3A_128, %while3A_109 : vector<16xi1>, vector<16xi32>
            scf.yield %select_n3A_134, %select_n3A_135 : vector<16xf32>, vector<16xi32>
          }
          %reduce_max3A = arith.constant true
          %reduce_max3A_88 = vector.broadcast %reduce_max3A : i1 to vector<16xi1>
          %reduce_max3A_89 = tpu.scan <max>, %while3A_87#0 masked %reduce_max3A_88 : vector<16xf32>, vector<16xi1> -> vector<16xf32>
          %reduce_max3A_90 = vector.extract %reduce_max3A_89[15] : f32 from vector<16xf32>
          %eq3A = vector.broadcast %reduce_max3A_90 : f32 to vector<16xf32>
          %eq3A_91 = arith.cmpf oeq, %while3A_87#0, %eq3A : vector<16xf32>
          %jit3A_92 = arith.constant 8192 : i32
          %broadcast_in_dim3A_93 = vector.broadcast %jit3A_92 : i32 to vector<16xi32>
          %select_n3A_94 = arith.select %eq3A_91, %while3A_87#1, %broadcast_in_dim3A_93 : vector<16xi1>, vector<16xi32>
          %reduce_min3A = arith.constant true
          %reduce_min3A_95 = vector.broadcast %reduce_min3A : i1 to vector<16xi1>
          %reduce_min3A_96 = arith.constant -2147483648 : i32
          %reduce_min3A_97 = vector.broadcast %reduce_min3A_96 : i32 to vector<16xi32>
          %reduce_min3A_98 = arith.xori %select_n3A_94, %reduce_min3A_97 : vector<16xi32>
          %reduce_min3A_99 = tpu.scan <min>, %reduce_min3A_98 masked %reduce_min3A_95 : vector<16xi32>, vector<16xi1> -> vector<16xi32>
          %reduce_min3A_100 = arith.xori %reduce_min3A_99, %reduce_min3A_97 : vector<16xi32>
          %reduce_min3A_101 = vector.extract %reduce_min3A_100[15] : i32 from vector<16xi32>
          %broadcast_in_dim3A_102 = vector.broadcast %while3A_50 : i32 to vector<16xi32>
          %broadcast_in_dim3A_103 = vector.broadcast %reduce_min3A_101 : i32 to vector<16xi32>
          %eq3A_104 = arith.constant 0 : i32
          %eq3A_105 = vector.broadcast %eq3A_104 : i32 to vector<16xi32>
          %eq3A_106 = arith.cmpi eq, %iota3A, %eq3A_105 : vector<16xi32>
          tpu.vector_store_idx %arg7[%broadcast_in_dim3A_102], %broadcast_in_dim3A_103 masked %eq3A_106 : memref<512xi32, #tpu.memory_space<vmem>>[vector<16xi32>], vector<16xi32>, vector<16xi1>
          scf.yield %reduce_max3A_90, %reduce_min3A_101 : f32, i32
        }
        %while3A_45 = arith.constant 1 : i32
        %while3A_46:2 = scf.for %while3A_50 = %while3A_42 to %while3A_38 step %while3A_45 iter_args(%while3A_51 = %while3A_44#0, %while3A_52 = %while3A_44#1) -> (f32, i32)  : i32 {
          %add3A_53 = arith.constant 16 : i32
          %add3A_54 = arith.addi %scan3A_26, %add3A_53 : i32
          %sub3A = arith.constant 1 : i32
          %sub3A_55 = arith.subi %add3A_54, %sub3A : i32
          %jit3A = arith.constant 16 : i32
          %div3A = arith.divsi %sub3A_55, %jit3A : i32
          %sign3A = arith.constant 0 : i32
          %sign3A_56 = arith.cmpi sgt, %sub3A_55, %sign3A : i32
          %sign3A_57 = arith.extui %sign3A_56 : i1 to i32
          %sign3A_58 = arith.constant 0 : i32
          %sign3A_59 = arith.cmpi slt, %sub3A_55, %sign3A_58 : i32
          %sign3A_60 = arith.extui %sign3A_59 : i1 to i32
          %sign3A_61 = arith.subi %sign3A_57, %sign3A_60 : i32
          %sign3A_62 = arith.constant 0 : i32
          %sign3A_63 = arith.cmpi sgt, %jit3A, %sign3A_62 : i32
          %sign3A_64 = arith.extui %sign3A_63 : i1 to i32
          %sign3A_65 = arith.constant 0 : i32
          %sign3A_66 = arith.cmpi slt, %jit3A, %sign3A_65 : i32
          %sign3A_67 = arith.extui %sign3A_66 : i1 to i32
          %sign3A_68 = arith.subi %sign3A_64, %sign3A_67 : i32
          %ne3A = arith.cmpi ne, %sign3A_61, %sign3A_68 : i32
          %rem3A = arith.remsi %sub3A_55, %jit3A : i32
          %ne3A_69 = arith.constant 0 : i32
          %ne3A_70 = arith.cmpi ne, %rem3A, %ne3A_69 : i32
          %and3A = arith.andi %ne3A, %ne3A_70 : i1
          %sub3A_71 = arith.constant 1 : i32
          %sub3A_72 = arith.subi %div3A, %sub3A_71 : i32
          %select_n3A = arith.select %and3A, %sub3A_72, %div3A : i32
          %broadcast_in_dim3A_73 = arith.constant -1.000000e+00 : f32
          %broadcast_in_dim3A_74 = vector.broadcast %broadcast_in_dim3A_73 : f32 to vector<16xf32>
          %broadcast_in_dim3A_75 = arith.constant 8192 : i32
          %broadcast_in_dim3A_76 = vector.broadcast %broadcast_in_dim3A_75 : i32 to vector<16xi32>
          %while3A_77 = arith.constant 0 : i32
          %while3A_78 = arith.subi %select_n3A, %while3A_77 : i32
          %while3A_79 = arith.addi %while3A_77, %while3A_78 : i32
          %while3A_80 = arith.constant 1 : i32
          %while3A_81 = arith.divsi %while3A_78, %while3A_80 : i32
          %while3A_82 = arith.muli %while3A_81, %while3A_80 : i32
          %while3A_83 = arith.addi %while3A_77, %while3A_82 : i32
          %while3A_84 = arith.constant 1 : i32
          %while3A_85:2 = scf.for %while3A_107 = %while3A_77 to %while3A_83 step %while3A_84 iter_args(%while3A_108 = %broadcast_in_dim3A_74, %while3A_109 = %broadcast_in_dim3A_76) -> (vector<16xf32>, vector<16xi32>)  : i32 {
            %mul3A_110 = arith.constant 16 : i32
            %mul3A_111 = arith.muli %while3A_107, %mul3A_110 : i32
            %get3A = arith.index_cast %mul3A_111 : i32 to index
            %get3A_112 = tpu.vector_load %arg5[%get3A] {strides = array<i32>} : memref<512xf32, #tpu.memory_space<vmem>>, vector<16xf32>,
            %mul3A_113 = arith.constant 16 : i32
            %mul3A_114 = arith.muli %while3A_107, %mul3A_113 : i32
            %get3A_115 = arith.index_cast %mul3A_114 : i32 to index
            %get3A_116 = tpu.vector_load %arg6[%get3A_115] {strides = array<i32>} : memref<512xi32, #tpu.memory_space<vmem>>, vector<16xi32>,
            %lt3A_117 = vector.broadcast %while3A_51 : f32 to vector<16xf32>
            %lt3A_118 = arith.cmpf olt, %get3A_112, %lt3A_117 : vector<16xf32>
            %eq3A_119 = vector.broadcast %while3A_51 : f32 to vector<16xf32>
            %eq3A_120 = arith.cmpf oeq, %get3A_112, %eq3A_119 : vector<16xf32>
            %gt3A = vector.broadcast %while3A_52 : i32 to vector<16xi32>
            %gt3A_121 = arith.cmpi sgt, %get3A_116, %gt3A : vector<16xi32>
            %and3A_122 = arith.andi %eq3A_120, %gt3A_121 : vector<16xi1>
            %or3A = arith.ori %lt3A_118, %and3A_122 : vector<16xi1>
            %jit3A_123 = arith.constant -1.000000e+00 : f32
            %broadcast_in_dim3A_124 = vector.broadcast %jit3A_123 : f32 to vector<16xf32>
            %select_n3A_125 = arith.select %or3A, %get3A_112, %broadcast_in_dim3A_124 : vector<16xi1>, vector<16xf32>
            %jit3A_126 = arith.constant 8192 : i32
            %broadcast_in_dim3A_127 = vector.broadcast %jit3A_126 : i32 to vector<16xi32>
            %select_n3A_128 = arith.select %or3A, %get3A_116, %broadcast_in_dim3A_127 : vector<16xi1>, vector<16xi32>
            %gt3A_129 = arith.cmpf ogt, %select_n3A_125, %while3A_108 : vector<16xf32>
            %eq3A_130 = arith.cmpf oeq, %select_n3A_125, %while3A_108 : vector<16xf32>
            %lt3A_131 = arith.cmpi slt, %select_n3A_128, %while3A_109 : vector<16xi32>
            %and3A_132 = arith.andi %eq3A_130, %lt3A_131 : vector<16xi1>
            %or3A_133 = arith.ori %gt3A_129, %and3A_132 : vector<16xi1>
            %select_n3A_134 = arith.select %or3A_133, %select_n3A_125, %while3A_108 : vector<16xi1>, vector<16xf32>
            %select_n3A_135 = arith.select %or3A_133, %select_n3A_128, %while3A_109 : vector<16xi1>, vector<16xi32>
            scf.yield %select_n3A_134, %select_n3A_135 : vector<16xf32>, vector<16xi32>
          }
          %while3A_86 = arith.constant 1 : i32
          %while3A_87:2 = scf.for %while3A_107 = %while3A_83 to %while3A_79 step %while3A_86 iter_args(%while3A_108 = %while3A_85#0, %while3A_109 = %while3A_85#1) -> (vector<16xf32>, vector<16xi32>)  : i32 {
            %mul3A_110 = arith.constant 16 : i32
            %mul3A_111 = arith.muli %while3A_107, %mul3A_110 : i32
            %get3A = arith.index_cast %mul3A_111 : i32 to index
            %get3A_112 = tpu.vector_load %arg5[%get3A] {strides = array<i32>} : memref<512xf32, #tpu.memory_space<vmem>>, vector<16xf32>,
            %mul3A_113 = arith.constant 16 : i32
            %mul3A_114 = arith.muli %while3A_107, %mul3A_113 : i32
            %get3A_115 = arith.index_cast %mul3A_114 : i32 to index
            %get3A_116 = tpu.vector_load %arg6[%get3A_115] {strides = array<i32>} : memref<512xi32, #tpu.memory_space<vmem>>, vector<16xi32>,
            %lt3A_117 = vector.broadcast %while3A_51 : f32 to vector<16xf32>
            %lt3A_118 = arith.cmpf olt, %get3A_112, %lt3A_117 : vector<16xf32>
            %eq3A_119 = vector.broadcast %while3A_51 : f32 to vector<16xf32>
            %eq3A_120 = arith.cmpf oeq, %get3A_112, %eq3A_119 : vector<16xf32>
            %gt3A = vector.broadcast %while3A_52 : i32 to vector<16xi32>
            %gt3A_121 = arith.cmpi sgt, %get3A_116, %gt3A : vector<16xi32>
            %and3A_122 = arith.andi %eq3A_120, %gt3A_121 : vector<16xi1>
            %or3A = arith.ori %lt3A_118, %and3A_122 : vector<16xi1>
            %jit3A_123 = arith.constant -1.000000e+00 : f32
            %broadcast_in_dim3A_124 = vector.broadcast %jit3A_123 : f32 to vector<16xf32>
            %select_n3A_125 = arith.select %or3A, %get3A_112, %broadcast_in_dim3A_124 : vector<16xi1>, vector<16xf32>
            %jit3A_126 = arith.constant 8192 : i32
            %broadcast_in_dim3A_127 = vector.broadcast %jit3A_126 : i32 to vector<16xi32>
            %select_n3A_128 = arith.select %or3A, %get3A_116, %broadcast_in_dim3A_127 : vector<16xi1>, vector<16xi32>
            %gt3A_129 = arith.cmpf ogt, %select_n3A_125, %while3A_108 : vector<16xf32>
            %eq3A_130 = arith.cmpf oeq, %select_n3A_125, %while3A_108 : vector<16xf32>
            %lt3A_131 = arith.cmpi slt, %select_n3A_128, %while3A_109 : vector<16xi32>
            %and3A_132 = arith.andi %eq3A_130, %lt3A_131 : vector<16xi1>
            %or3A_133 = arith.ori %gt3A_129, %and3A_132 : vector<16xi1>
            %select_n3A_134 = arith.select %or3A_133, %select_n3A_125, %while3A_108 : vector<16xi1>, vector<16xf32>
            %select_n3A_135 = arith.select %or3A_133, %select_n3A_128, %while3A_109 : vector<16xi1>, vector<16xi32>
            scf.yield %select_n3A_134, %select_n3A_135 : vector<16xf32>, vector<16xi32>
          }
          %reduce_max3A = arith.constant true
          %reduce_max3A_88 = vector.broadcast %reduce_max3A : i1 to vector<16xi1>
          %reduce_max3A_89 = tpu.scan <max>, %while3A_87#0 masked %reduce_max3A_88 : vector<16xf32>, vector<16xi1> -> vector<16xf32>
          %reduce_max3A_90 = vector.extract %reduce_max3A_89[15] : f32 from vector<16xf32>
          %eq3A = vector.broadcast %reduce_max3A_90 : f32 to vector<16xf32>
          %eq3A_91 = arith.cmpf oeq, %while3A_87#0, %eq3A : vector<16xf32>
          %jit3A_92 = arith.constant 8192 : i32
          %broadcast_in_dim3A_93 = vector.broadcast %jit3A_92 : i32 to vector<16xi32>
          %select_n3A_94 = arith.select %eq3A_91, %while3A_87#1, %broadcast_in_dim3A_93 : vector<16xi1>, vector<16xi32>
          %reduce_min3A = arith.constant true
          %reduce_min3A_95 = vector.broadcast %reduce_min3A : i1 to vector<16xi1>
          %reduce_min3A_96 = arith.constant -2147483648 : i32
          %reduce_min3A_97 = vector.broadcast %reduce_min3A_96 : i32 to vector<16xi32>
          %reduce_min3A_98 = arith.xori %select_n3A_94, %reduce_min3A_97 : vector<16xi32>
          %reduce_min3A_99 = tpu.scan <min>, %reduce_min3A_98 masked %reduce_min3A_95 : vector<16xi32>, vector<16xi1> -> vector<16xi32>
          %reduce_min3A_100 = arith.xori %reduce_min3A_99, %reduce_min3A_97 : vector<16xi32>
          %reduce_min3A_101 = vector.extract %reduce_min3A_100[15] : i32 from vector<16xi32>
          %broadcast_in_dim3A_102 = vector.broadcast %while3A_50 : i32 to vector<16xi32>
          %broadcast_in_dim3A_103 = vector.broadcast %reduce_min3A_101 : i32 to vector<16xi32>
          %eq3A_104 = arith.constant 0 : i32
          %eq3A_105 = vector.broadcast %eq3A_104 : i32 to vector<16xi32>
          %eq3A_106 = arith.cmpi eq, %iota3A, %eq3A_105 : vector<16xi32>
          tpu.vector_store_idx %arg7[%broadcast_in_dim3A_102], %broadcast_in_dim3A_103 masked %eq3A_106 : memref<512xi32, #tpu.memory_space<vmem>>[vector<16xi32>], vector<16xi32>, vector<16xi1>
          scf.yield %reduce_max3A_90, %reduce_min3A_101 : f32, i32
        }
        %while3A_47 = arith.constant 0 : i32
        %while3A_48 = arith.constant 0 : i32
        %while3A_49:2 = scf.while (%while3A_50 = %while3A_47, %while3A_51 = %while3A_48) : (i32, i32) -> (i32, i32) {
          %lt3A_52 = arith.constant 512 : i32
          %lt3A_53 = arith.cmpi slt, %while3A_50, %lt3A_52 : i32
          %sub3A = arith.constant 512 : i32
          %sub3A_54 = arith.subi %sub3A, %scan3A_26 : i32
          %lt3A_55 = arith.cmpi slt, %while3A_51, %sub3A_54 : i32
          %and3A = arith.andi %lt3A_53, %lt3A_55 : i1
          scf.condition(%and3A) %while3A_50, %while3A_51 : i32, i32
        } do {
        ^bb0(%while3A_50: i32, %while3A_51: i32):
          %mul3A_52 = arith.constant 16 : i32
          %mul3A_53 = arith.muli %while3A_50, %mul3A_52 : i32
          %get3A = arith.index_cast %mul3A_53 : i32 to index
          %get3A_54 = tpu.vector_load %arg4[%get3A] {strides = array<i32>} : memref<8192xf32, #tpu.memory_space<vmem>>, vector<16xf32>,
          %eq3A = arith.constant 0.000000e+00 : f32
          %eq3A_55 = vector.broadcast %eq3A : f32 to vector<16xf32>
          %eq3A_56 = arith.cmpf oeq, %get3A_54, %eq3A_55 : vector<16xf32>
          %jit3A = arith.constant 1 : i32
          %jit3A_57 = arith.constant 0 : i32
          %broadcast_in_dim3A_58 = vector.broadcast %jit3A : i32 to vector<16xi32>
          %broadcast_in_dim3A_59 = vector.broadcast %jit3A_57 : i32 to vector<16xi32>
          %select_n3A = arith.select %eq3A_56, %broadcast_in_dim3A_58, %broadcast_in_dim3A_59 : vector<16xi1>, vector<16xi32>
          %broadcast_in_dim3A_60 = arith.constant true
          %broadcast_in_dim3A_61 = vector.broadcast %broadcast_in_dim3A_60 : i1 to vector<16xi1>
          %masked_cumsum3A = tpu.scan <sum>, %select_n3A masked %broadcast_in_dim3A_61 : vector<16xi32>, vector<16xi1> -> vector<16xi32>
          %add3A_62 = arith.addi %scan3A_26, %while3A_51 : i32
          %add3A_63 = vector.broadcast %add3A_62 : i32 to vector<16xi32>
          %add3A_64 = arith.addi %add3A_63, %masked_cumsum3A : vector<16xi32>
          %sub3A = arith.constant 1 : i32
          %sub3A_65 = vector.broadcast %sub3A : i32 to vector<16xi32>
          %sub3A_66 = arith.subi %add3A_64, %sub3A_65 : vector<16xi32>
          %mul3A_67 = arith.constant 16 : i32
          %mul3A_68 = arith.muli %while3A_50, %mul3A_67 : i32
          %add3A_69 = vector.broadcast %mul3A_68 : i32 to vector<16xi32>
          %add3A_70 = arith.addi %iota3A, %add3A_69 : vector<16xi32>
          %lt3A_71 = arith.constant 512 : i32
          %lt3A_72 = vector.broadcast %lt3A_71 : i32 to vector<16xi32>
          %lt3A_73 = arith.cmpi slt, %sub3A_66, %lt3A_72 : vector<16xi32>
          %and3A = arith.andi %eq3A_56, %lt3A_73 : vector<16xi1>
          tpu.vector_store_idx %arg7[%sub3A_66], %add3A_70 masked %and3A : memref<512xi32, #tpu.memory_space<vmem>>[vector<16xi32>], vector<16xi32>, vector<16xi1>
          %add3A_74 = arith.constant 1 : i32
          %add3A_75 = arith.addi %while3A_50, %add3A_74 : i32
          %jit3A_76 = arith.constant 1 : i32
          %jit3A_77 = arith.constant 0 : i32
          %broadcast_in_dim3A_78 = vector.broadcast %jit3A_76 : i32 to vector<16xi32>
          %broadcast_in_dim3A_79 = vector.broadcast %jit3A_77 : i32 to vector<16xi32>
          %select_n3A_80 = arith.select %eq3A_56, %broadcast_in_dim3A_78, %broadcast_in_dim3A_79 : vector<16xi1>, vector<16xi32>
          %reduce_sum3A_81 = arith.constant true
          %reduce_sum3A_82 = vector.broadcast %reduce_sum3A_81 : i1 to vector<16xi1>
          %reduce_sum3A_83 = tpu.scan <sum>, %select_n3A_80 masked %reduce_sum3A_82 : vector<16xi32>, vector<16xi1> -> vector<16xi32>
          %reduce_sum3A_84 = vector.extract %reduce_sum3A_83[15] : i32 from vector<16xi32>
          %add3A_85 = arith.addi %while3A_51, %reduce_sum3A_84 : i32
          scf.yield %add3A_75, %add3A_85 : i32, i32
        }
      } else {
      }
      %ge3A = arith.constant 512 : i32
      %ge3A_17 = arith.cmpi sge, %reduce_sum3A_11, %ge3A : i32
      %convert_element_type3A_18 = arith.extui %ge3A_17 : i1 to i32
      %cond3A_19 = arith.constant 0 : i32
      %cond3A_20 = arith.cmpi ne, %convert_element_type3A_18, %cond3A_19 : i32
      scf.if %cond3A_20 {
        %ge3A_21 = arith.constant 512 : i32
        %ge3A_22 = arith.cmpi sge, %reduce_sum3A_11, %ge3A_21 : i32
        %jit3A = arith.constant 512 : i32
        %jit3A_23 = arith.constant 0 : i32
        %select_n3A = arith.select %ge3A_22, %jit3A, %jit3A_23 : i32
        %while3A = arith.constant 0 : i32
        %while3A_24 = arith.constant 2.000000e+00 : f32
        %while3A_25 = arith.constant -1 : i32
        %while3A_26 = arith.subi %select_n3A, %while3A : i32
        %while3A_27 = arith.addi %while3A, %while3A_26 : i32
        %while3A_28 = arith.constant 1 : i32
        %while3A_29 = arith.divsi %while3A_26, %while3A_28 : i32
        %while3A_30 = arith.muli %while3A_29, %while3A_28 : i32
        %while3A_31 = arith.addi %while3A, %while3A_30 : i32
        %while3A_32 = arith.constant 1 : i32
        %while3A_33:2 = scf.for %while3A_36 = %while3A to %while3A_31 step %while3A_32 iter_args(%while3A_37 = %while3A_24, %while3A_38 = %while3A_25) -> (f32, i32)  : i32 {
          %broadcast_in_dim3A_39 = arith.constant -1.000000e+00 : f32
          %broadcast_in_dim3A_40 = vector.broadcast %broadcast_in_dim3A_39 : f32 to vector<16xf32>
          %broadcast_in_dim3A_41 = arith.constant 8192 : i32
          %broadcast_in_dim3A_42 = vector.broadcast %broadcast_in_dim3A_41 : i32 to vector<16xi32>
          %scan3A_43 = arith.constant 0 : i32
          %scan3A_44 = arith.constant 512 : i32
          %scan3A_45 = arith.addi %scan3A_43, %scan3A_44 : i32
          %scan3A_46 = arith.constant 1 : i32
          %scan3A_47:2 = scf.for %scan3A_68 = %scan3A_43 to %scan3A_45 step %scan3A_46 iter_args(%scan3A_69 = %broadcast_in_dim3A_40, %scan3A_70 = %broadcast_in_dim3A_42) -> (vector<16xf32>, vector<16xi32>)  : i32 {
            %mul3A_71 = arith.constant 16 : i32
            %mul3A_72 = arith.muli %scan3A_68, %mul3A_71 : i32
            %get3A = arith.index_cast %mul3A_72 : i32 to index
            %get3A_73 = tpu.vector_load %arg4[%get3A] {strides = array<i32>} : memref<8192xf32, #tpu.memory_space<vmem>>, vector<16xf32>,
            %mul3A_74 = arith.constant 16 : i32
            %mul3A_75 = arith.muli %scan3A_68, %mul3A_74 : i32
            %add3A_76 = vector.broadcast %mul3A_75 : i32 to vector<16xi32>
            %add3A_77 = arith.addi %iota3A, %add3A_76 : vector<16xi32>
            %lt3A_78 = vector.broadcast %while3A_37 : f32 to vector<16xf32>
            %lt3A_79 = arith.cmpf olt, %get3A_73, %lt3A_78 : vector<16xf32>
            %eq3A_80 = vector.broadcast %while3A_37 : f32 to vector<16xf32>
            %eq3A_81 = arith.cmpf oeq, %get3A_73, %eq3A_80 : vector<16xf32>
            %gt3A = vector.broadcast %while3A_38 : i32 to vector<16xi32>
            %gt3A_82 = arith.cmpi sgt, %add3A_77, %gt3A : vector<16xi32>
            %and3A = arith.andi %eq3A_81, %gt3A_82 : vector<16xi1>
            %or3A = arith.ori %lt3A_79, %and3A : vector<16xi1>
            %jit3A_83 = arith.constant -1.000000e+00 : f32
            %broadcast_in_dim3A_84 = vector.broadcast %jit3A_83 : f32 to vector<16xf32>
            %select_n3A_85 = arith.select %or3A, %get3A_73, %broadcast_in_dim3A_84 : vector<16xi1>, vector<16xf32>
            %jit3A_86 = arith.constant 8192 : i32
            %broadcast_in_dim3A_87 = vector.broadcast %jit3A_86 : i32 to vector<16xi32>
            %select_n3A_88 = arith.select %or3A, %add3A_77, %broadcast_in_dim3A_87 : vector<16xi1>, vector<16xi32>
            %gt3A_89 = arith.cmpf ogt, %select_n3A_85, %scan3A_69 : vector<16xf32>
            %eq3A_90 = arith.cmpf oeq, %select_n3A_85, %scan3A_69 : vector<16xf32>
            %lt3A_91 = arith.cmpi slt, %select_n3A_88, %scan3A_70 : vector<16xi32>
            %and3A_92 = arith.andi %eq3A_90, %lt3A_91 : vector<16xi1>
            %or3A_93 = arith.ori %gt3A_89, %and3A_92 : vector<16xi1>
            %select_n3A_94 = arith.select %or3A_93, %select_n3A_85, %scan3A_69 : vector<16xi1>, vector<16xf32>
            %select_n3A_95 = arith.select %or3A_93, %select_n3A_88, %scan3A_70 : vector<16xi1>, vector<16xi32>
            scf.yield %select_n3A_94, %select_n3A_95 : vector<16xf32>, vector<16xi32>
          }
          %scan3A_48 = arith.constant 512 : i32
          %reduce_max3A = arith.constant true
          %reduce_max3A_49 = vector.broadcast %reduce_max3A : i1 to vector<16xi1>
          %reduce_max3A_50 = tpu.scan <max>, %scan3A_47#0 masked %reduce_max3A_49 : vector<16xf32>, vector<16xi1> -> vector<16xf32>
          %reduce_max3A_51 = vector.extract %reduce_max3A_50[15] : f32 from vector<16xf32>
          %eq3A = vector.broadcast %reduce_max3A_51 : f32 to vector<16xf32>
          %eq3A_52 = arith.cmpf oeq, %scan3A_47#0, %eq3A : vector<16xf32>
          %jit3A_53 = arith.constant 8192 : i32
          %broadcast_in_dim3A_54 = vector.broadcast %jit3A_53 : i32 to vector<16xi32>
          %select_n3A_55 = arith.select %eq3A_52, %scan3A_47#1, %broadcast_in_dim3A_54 : vector<16xi1>, vector<16xi32>
          %reduce_min3A = arith.constant true
          %reduce_min3A_56 = vector.broadcast %reduce_min3A : i1 to vector<16xi1>
          %reduce_min3A_57 = arith.constant -2147483648 : i32
          %reduce_min3A_58 = vector.broadcast %reduce_min3A_57 : i32 to vector<16xi32>
          %reduce_min3A_59 = arith.xori %select_n3A_55, %reduce_min3A_58 : vector<16xi32>
          %reduce_min3A_60 = tpu.scan <min>, %reduce_min3A_59 masked %reduce_min3A_56 : vector<16xi32>, vector<16xi1> -> vector<16xi32>
          %reduce_min3A_61 = arith.xori %reduce_min3A_60, %reduce_min3A_58 : vector<16xi32>
          %reduce_min3A_62 = vector.extract %reduce_min3A_61[15] : i32 from vector<16xi32>
          %broadcast_in_dim3A_63 = vector.broadcast %while3A_36 : i32 to vector<16xi32>
          %broadcast_in_dim3A_64 = vector.broadcast %reduce_min3A_62 : i32 to vector<16xi32>
          %eq3A_65 = arith.constant 0 : i32
          %eq3A_66 = vector.broadcast %eq3A_65 : i32 to vector<16xi32>
          %eq3A_67 = arith.cmpi eq, %iota3A, %eq3A_66 : vector<16xi32>
          tpu.vector_store_idx %arg7[%broadcast_in_dim3A_63], %broadcast_in_dim3A_64 masked %eq3A_67 : memref<512xi32, #tpu.memory_space<vmem>>[vector<16xi32>], vector<16xi32>, vector<16xi1>
          scf.yield %reduce_max3A_51, %reduce_min3A_62 : f32, i32
        }
        %while3A_34 = arith.constant 1 : i32
        %while3A_35:2 = scf.for %while3A_36 = %while3A_31 to %while3A_27 step %while3A_34 iter_args(%while3A_37 = %while3A_33#0, %while3A_38 = %while3A_33#1) -> (f32, i32)  : i32 {
          %broadcast_in_dim3A_39 = arith.constant -1.000000e+00 : f32
          %broadcast_in_dim3A_40 = vector.broadcast %broadcast_in_dim3A_39 : f32 to vector<16xf32>
          %broadcast_in_dim3A_41 = arith.constant 8192 : i32
          %broadcast_in_dim3A_42 = vector.broadcast %broadcast_in_dim3A_41 : i32 to vector<16xi32>
          %scan3A_43 = arith.constant 0 : i32
          %scan3A_44 = arith.constant 512 : i32
          %scan3A_45 = arith.addi %scan3A_43, %scan3A_44 : i32
          %scan3A_46 = arith.constant 1 : i32
          %scan3A_47:2 = scf.for %scan3A_68 = %scan3A_43 to %scan3A_45 step %scan3A_46 iter_args(%scan3A_69 = %broadcast_in_dim3A_40, %scan3A_70 = %broadcast_in_dim3A_42) -> (vector<16xf32>, vector<16xi32>)  : i32 {
            %mul3A_71 = arith.constant 16 : i32
            %mul3A_72 = arith.muli %scan3A_68, %mul3A_71 : i32
            %get3A = arith.index_cast %mul3A_72 : i32 to index
            %get3A_73 = tpu.vector_load %arg4[%get3A] {strides = array<i32>} : memref<8192xf32, #tpu.memory_space<vmem>>, vector<16xf32>,
            %mul3A_74 = arith.constant 16 : i32
            %mul3A_75 = arith.muli %scan3A_68, %mul3A_74 : i32
            %add3A_76 = vector.broadcast %mul3A_75 : i32 to vector<16xi32>
            %add3A_77 = arith.addi %iota3A, %add3A_76 : vector<16xi32>
            %lt3A_78 = vector.broadcast %while3A_37 : f32 to vector<16xf32>
            %lt3A_79 = arith.cmpf olt, %get3A_73, %lt3A_78 : vector<16xf32>
            %eq3A_80 = vector.broadcast %while3A_37 : f32 to vector<16xf32>
            %eq3A_81 = arith.cmpf oeq, %get3A_73, %eq3A_80 : vector<16xf32>
            %gt3A = vector.broadcast %while3A_38 : i32 to vector<16xi32>
            %gt3A_82 = arith.cmpi sgt, %add3A_77, %gt3A : vector<16xi32>
            %and3A = arith.andi %eq3A_81, %gt3A_82 : vector<16xi1>
            %or3A = arith.ori %lt3A_79, %and3A : vector<16xi1>
            %jit3A_83 = arith.constant -1.000000e+00 : f32
            %broadcast_in_dim3A_84 = vector.broadcast %jit3A_83 : f32 to vector<16xf32>
            %select_n3A_85 = arith.select %or3A, %get3A_73, %broadcast_in_dim3A_84 : vector<16xi1>, vector<16xf32>
            %jit3A_86 = arith.constant 8192 : i32
            %broadcast_in_dim3A_87 = vector.broadcast %jit3A_86 : i32 to vector<16xi32>
            %select_n3A_88 = arith.select %or3A, %add3A_77, %broadcast_in_dim3A_87 : vector<16xi1>, vector<16xi32>
            %gt3A_89 = arith.cmpf ogt, %select_n3A_85, %scan3A_69 : vector<16xf32>
            %eq3A_90 = arith.cmpf oeq, %select_n3A_85, %scan3A_69 : vector<16xf32>
            %lt3A_91 = arith.cmpi slt, %select_n3A_88, %scan3A_70 : vector<16xi32>
            %and3A_92 = arith.andi %eq3A_90, %lt3A_91 : vector<16xi1>
            %or3A_93 = arith.ori %gt3A_89, %and3A_92 : vector<16xi1>
            %select_n3A_94 = arith.select %or3A_93, %select_n3A_85, %scan3A_69 : vector<16xi1>, vector<16xf32>
            %select_n3A_95 = arith.select %or3A_93, %select_n3A_88, %scan3A_70 : vector<16xi1>, vector<16xi32>
            scf.yield %select_n3A_94, %select_n3A_95 : vector<16xf32>, vector<16xi32>
          }
          %scan3A_48 = arith.constant 512 : i32
          %reduce_max3A = arith.constant true
          %reduce_max3A_49 = vector.broadcast %reduce_max3A : i1 to vector<16xi1>
          %reduce_max3A_50 = tpu.scan <max>, %scan3A_47#0 masked %reduce_max3A_49 : vector<16xf32>, vector<16xi1> -> vector<16xf32>
          %reduce_max3A_51 = vector.extract %reduce_max3A_50[15] : f32 from vector<16xf32>
          %eq3A = vector.broadcast %reduce_max3A_51 : f32 to vector<16xf32>
          %eq3A_52 = arith.cmpf oeq, %scan3A_47#0, %eq3A : vector<16xf32>
          %jit3A_53 = arith.constant 8192 : i32
          %broadcast_in_dim3A_54 = vector.broadcast %jit3A_53 : i32 to vector<16xi32>
          %select_n3A_55 = arith.select %eq3A_52, %scan3A_47#1, %broadcast_in_dim3A_54 : vector<16xi1>, vector<16xi32>
          %reduce_min3A = arith.constant true
          %reduce_min3A_56 = vector.broadcast %reduce_min3A : i1 to vector<16xi1>
          %reduce_min3A_57 = arith.constant -2147483648 : i32
          %reduce_min3A_58 = vector.broadcast %reduce_min3A_57 : i32 to vector<16xi32>
          %reduce_min3A_59 = arith.xori %select_n3A_55, %reduce_min3A_58 : vector<16xi32>
          %reduce_min3A_60 = tpu.scan <min>, %reduce_min3A_59 masked %reduce_min3A_56 : vector<16xi32>, vector<16xi1> -> vector<16xi32>
          %reduce_min3A_61 = arith.xori %reduce_min3A_60, %reduce_min3A_58 : vector<16xi32>
          %reduce_min3A_62 = vector.extract %reduce_min3A_61[15] : i32 from vector<16xi32>
          %broadcast_in_dim3A_63 = vector.broadcast %while3A_36 : i32 to vector<16xi32>
          %broadcast_in_dim3A_64 = vector.broadcast %reduce_min3A_62 : i32 to vector<16xi32>
          %eq3A_65 = arith.constant 0 : i32
          %eq3A_66 = vector.broadcast %eq3A_65 : i32 to vector<16xi32>
          %eq3A_67 = arith.cmpi eq, %iota3A, %eq3A_66 : vector<16xi32>
          tpu.vector_store_idx %arg7[%broadcast_in_dim3A_63], %broadcast_in_dim3A_64 masked %eq3A_67 : memref<512xi32, #tpu.memory_space<vmem>>[vector<16xi32>], vector<16xi32>, vector<16xi1>
          scf.yield %reduce_max3A_51, %reduce_min3A_62 : f32, i32
        }
      } else {
      }
      "tpu.region"() ({
        %run_scoped3A = tpu.sem_alloc : memref<!tpu.dma_semaphore, #tpu.memory_space<semaphore_mem>>
        %dma_start3A = arith.constant 0 : i32
        %dma_start3A_21 = tpu.memref_slice %arg3[%add3A, %dma_start3A] : memref<4x512xi32, #tpu.memory_space<hbm>> -> memref<1x512xi32, #tpu.memory_space<hbm>>
        %dma_start3A_22 = tpu.memref_squeeze %dma_start3A_21 : memref<1x512xi32, #tpu.memory_space<hbm>> -> memref<512xi32, #tpu.memory_space<hbm>>
        %dma_start3A_23 = arith.constant 0 : i32
        %dma_start3A_24 = tpu.memref_slice %arg3[%add3A, %dma_start3A_23] : memref<4x512xi32, #tpu.memory_space<hbm>> -> memref<1x512xi32, #tpu.memory_space<hbm>>
        %dma_start3A_25 = tpu.memref_squeeze %dma_start3A_24 : memref<1x512xi32, #tpu.memory_space<hbm>> -> memref<512xi32, #tpu.memory_space<hbm>>
        tpu.enqueue_dma source(%arg7 : memref<512xi32, #tpu.memory_space<vmem>>) target(%dma_start3A_25 : memref<512xi32, #tpu.memory_space<hbm>>) target_semaphore(%run_scoped3A : memref<!tpu.dma_semaphore, #tpu.memory_space<semaphore_mem>>)
        %dma_wait3A = arith.constant 0 : i32
        %dma_wait3A_26 = tpu.memref_slice %arg3[%add3A, %dma_wait3A] : memref<4x512xi32, #tpu.memory_space<hbm>> -> memref<1x512xi32, #tpu.memory_space<hbm>>
        %dma_wait3A_27 = tpu.memref_squeeze %dma_wait3A_26 : memref<1x512xi32, #tpu.memory_space<hbm>> -> memref<512xi32, #tpu.memory_space<hbm>>
        %dma_wait3A_28 = arith.constant 0 : i32
        %dma_wait3A_29 = tpu.memref_slice %arg3[%add3A, %dma_wait3A_28] : memref<4x512xi32, #tpu.memory_space<hbm>> -> memref<1x512xi32, #tpu.memory_space<hbm>>
        %dma_wait3A_30 = tpu.memref_squeeze %dma_wait3A_29 : memref<1x512xi32, #tpu.memory_space<hbm>> -> memref<512xi32, #tpu.memory_space<hbm>>
        tpu.wait_dma2 semaphore(%run_scoped3A : memref<!tpu.dma_semaphore, #tpu.memory_space<semaphore_mem>>) src(%arg7 : memref<512xi32, #tpu.memory_space<vmem>>) dst(%dma_wait3A_30 : memref<512xi32, #tpu.memory_space<hbm>>)
        tpu.yield
      }) : () -> ()
    } else {
    }
    return
  }
}

module attributes {stable_mosaic.version = 14 : i64} {
  func.func @_matvec_body(%arg0: i32, %arg1: memref<4x1024x768xf32, #tpu.memory_space<vmem>>, %arg2: memref<1x768xf32, #tpu.memory_space<vmem>>, %arg3: memref<4x1024xf32, #tpu.memory_space<vmem>>) attributes {dimension_semantics = [#tpu.dimension_semantics<arbitrary>], iteration_bounds = array<i64: 8>, scalar_prefetch = 0 : i64, scratch_operands = 0 : i64, tpu.core_type = #tpu.core_type<tc>, window_params = [{transform_indices = @transform_0, window_bounds = array<i64: 4, 1024, 768>}, {pipeline_mode = #tpu.pipeline_mode<synchronous>, transform_indices = @transform_1, window_bounds = array<i64: 1, 768>}, {transform_indices = @transform_2, window_bounds = array<i64: 4, 1024>}]} {
    %get3A = arith.constant 0 : index
    %get3A_0 = arith.constant 0 : index
    %get3A_1 = arith.constant 0 : index
    %get3A_2 = vector.load %arg1[%get3A, %get3A_0, %get3A_1] : memref<4x1024x768xf32, #tpu.memory_space<vmem>>, vector<4x1024x768xf32>
    %reshape3A = vector.shape_cast %get3A_2 : vector<4x1024x768xf32> to vector<4096x768xf32>
    %get3A_3 = arith.constant 0 : index
    %get3A_4 = arith.constant 0 : index
    %get3A_5 = vector.load %arg2[%get3A_3, %get3A_4] : memref<1x768xf32, #tpu.memory_space<vmem>>, vector<1x768xf32>
    %get3A_6 = vector.shape_cast %get3A_5 : vector<1x768xf32> to vector<768xf32>
    %broadcast_in_dim3A = vector.shape_cast %get3A_6 : vector<768xf32> to vector<768x1xf32>
    %dot_general3A = arith.constant dense<0.000000e+00> : vector<4096x1xf32>
    %dot_general3A_7 = tpu.matmul %reshape3A, %broadcast_in_dim3A, %dot_general3A {dimension_numbers = #tpu.dot_dimension_numbers<[1], [0], [0], [1], [0, 0, 1, 1], [], []>, transpose_lhs_hint = false} : vector<4096x768xf32>, vector<768x1xf32>, vector<4096x1xf32> -> vector<4096x1xf32>
    %reshape3A_8 = vector.shape_cast %dot_general3A_7 : vector<4096x1xf32> to vector<4x1024xf32>
    %swap3A = arith.constant 0 : index
    %swap3A_9 = arith.constant 0 : index
    %swap3A_10 = vector.load %arg3[%swap3A, %swap3A_9] : memref<4x1024xf32, #tpu.memory_space<vmem>>, vector<4x1024xf32>
    tpu.vector_store %arg3[%swap3A, %swap3A_9], %reshape3A_8 {strides = array<i32>} : memref<4x1024xf32, #tpu.memory_space<vmem>>, vector<4x1024xf32>,
    return
  }
  func.func @transform_0(%arg0: i32) -> (i32, i32, i32) {
    %c0_i32 = arith.constant 0 : i32
    %c0_i32_0 = arith.constant 0 : i32
    %c0_i32_1 = arith.constant 0 : i32
    return %c0_i32, %arg0, %c0_i32_0 : i32, i32, i32
  }
  func.func @transform_1(%arg0: i32) -> (i32, i32) {
    %c0_i32 = arith.constant 0 : i32
    %c0_i32_0 = arith.constant 0 : i32
    %c0_i32_1 = arith.constant 0 : i32
    return %c0_i32, %c0_i32_0 : i32, i32
  }
  func.func @transform_2(%arg0: i32) -> (i32, i32) {
    %c0_i32 = arith.constant 0 : i32
    %c0_i32_0 = arith.constant 0 : i32
    return %c0_i32, %arg0 : i32, i32
  }
}

module attributes {stable_mosaic.version = 14 : i64} {
  func.func @_iters_body(%arg0: memref<4x8192xf32, #tpu.memory_space<vmem>>, %arg1: memref<4x1xf32, #tpu.memory_space<vmem>>) attributes {dimension_semantics = [], scalar_prefetch = 0 : i64, scratch_operands = 0 : i64, tpu.core_type = #tpu.core_type<tc>} {
    %get3A = arith.constant 0 : index
    %get3A_0 = arith.constant 0 : index
    %get3A_1 = vector.load %arg0[%get3A, %get3A_0] : memref<4x8192xf32, #tpu.memory_space<vmem>>, vector<4x8192xf32>
    %log3A = arith.constant 8.000000e+00 : f32
    %log3A_2 = math.log %log3A : f32
    %mul3A = arith.constant 1.000000e-01 : f32
    %mul3A_3 = arith.mulf %mul3A, %log3A_2 : f32
    %broadcast_in_dim3A = arith.constant 0.000000e+00 : f32
    %broadcast_in_dim3A_4 = vector.broadcast %broadcast_in_dim3A : f32 to vector<4x1xf32>
    %scan3A = arith.constant 1.000000e+01 : f32
    %scan3A_5 = arith.constant 0 : i32
    %scan3A_6 = arith.constant 50 : i32
    %scan3A_7 = arith.addi %scan3A_5, %scan3A_6 : i32
    %scan3A_8 = arith.constant 1 : i32
    %scan3A_9 = scf.for %scan3A_12 = %scan3A_5 to %scan3A_7 step %scan3A_8 iter_args(%scan3A_13 = %broadcast_in_dim3A_4) -> (vector<4x1xf32>)  : i32 {
      %add3A = vector.broadcast %scan3A_13 : vector<4x1xf32> to vector<4x8192xf32>
      %add3A_14 = arith.addf %get3A_1, %add3A : vector<4x8192xf32>
      %min3A = arith.constant 0.000000e+00 : f32
      %min3A_15 = vector.broadcast %min3A : f32 to vector<4x8192xf32>
      %min3A_16 = arith.minimumf %add3A_14, %min3A_15 : vector<4x8192xf32>
      %mul3A_17 = vector.broadcast %scan3A : f32 to vector<4x8192xf32>
      %mul3A_18 = arith.mulf %min3A_16, %mul3A_17 : vector<4x8192xf32>
      %exp3A = math.exp %mul3A_18 : vector<4x8192xf32>
      %reduce_sum3A = arith.constant dense<0.000000e+00> : vector<4xf32>
      %reduce_sum3A_19 = vector.multi_reduction <add>, %exp3A, %reduce_sum3A [1] : vector<4x8192xf32> to vector<4xf32>
      %broadcast_in_dim3A_20 = vector.shape_cast %reduce_sum3A_19 : vector<4xf32> to vector<4x1xf32>
      %log3A_21 = math.log %broadcast_in_dim3A_20 : vector<4x1xf32>
      %mul3A_22 = arith.constant 1.000000e-01 : f32
      %mul3A_23 = vector.broadcast %mul3A_22 : f32 to vector<4x1xf32>
      %mul3A_24 = arith.mulf %mul3A_23, %log3A_21 : vector<4x1xf32>
      %sub3A = vector.broadcast %mul3A_3 : f32 to vector<4x1xf32>
      %sub3A_25 = arith.subf %sub3A, %mul3A_24 : vector<4x1xf32>
      %add3A_26 = arith.addf %scan3A_13, %sub3A_25 : vector<4x1xf32>
      scf.yield %add3A_26 : vector<4x1xf32>
    }
    %swap3A = arith.constant 0 : index
    %swap3A_10 = arith.constant 0 : index
    %swap3A_11 = vector.load %arg1[%swap3A, %swap3A_10] : memref<4x1xf32, #tpu.memory_space<vmem>>, vector<4x1xf32>
    tpu.vector_store %arg1[%swap3A, %swap3A_10], %scan3A_9 {strides = array<i32>} : memref<4x1xf32, #tpu.memory_space<vmem>>, vector<4x1xf32>,
    return
  }
}

</mosaic_0001>

<sc_bundles>
// kernel: kernel.5.cloned.1.call-start
scs
__scs_entry_jumppad:
0x0: {  	(pc) =	sbr.rel $0x88, $3  }
0x1: {  	(tag) =	ssettag $0x0;
	lr =	simm.s32 $0x1  }
0x2: {  	[smem:$0x3F9E] =	sst lr;
	_ =	strace $0xD0000000  }
0x3: {  	_ = 	snop  }
0x4: {  	_ = 	snop  }
0x5: {  	_ = 	snop  }
0x6: {  	_ = 	snop  }
0x7: {  	_ = 	snop  }
__scs_overlays_trampoline_lowered:
0x8: {  	[smem:$0x3FAD] =	sst s0  }
0x9: {  	[smem:$0x3FAE] =	sst s1  }
0xa: {  	[smem:$0x3FAF] =	sst s2  }
0xb: {  	[smem:$0x3FB0] =	sst s3  }
0xc: {  	[smem:$0x3FB1] =	sst s4  }
0xd: {  	[smem:$0x3FB2] =	sst s5  }
0xe: {  	[smem:$0x3FB3] =	sst s6  }
0xf: {  	[smem:$0x3FB4] =	sst s7  }
0x10: {  	[smem:$0x3FB5] =	sst s8  }
0x11: {  	[smem:$0x3FB6] =	sst s9;
	s0 =	simm.s32 @!p0 $0x0  }
0x12: {  	s1 =	sld [smem:$0x3F9C];
	s0 =	simm.s32 @p0 $0x1  }
0x13: {  	[smem:$0x3FB7] =	sst s0;
	s0 =	simm.s32 @!p1 $0x0  }
0x14: {  	s2 =	sld [smem:$0x3F9B];
	s0 =	simm.s32 @p1 $0x1  }
0x15: {  	[smem:$0x3FB8] =	sst s0;
	s0 =	simm.s32 @!p2 $0x0  }
0x16: {  	s3 =	sld [smem:$0x3FDB];
	s0 =	simm.s32 @p2 $0x1  }
0x17: {  	s4 =	simm.s32 $0x1BF5;
	[smem:$0x3FBA] =	sst s0  }
0x18: {  	s0 =	sld [smem:$0x3F9D];
	_ =	swait.ge [sflag:s4], $0x0  }
0x19: {  	s7 =	sld [smem:$0x3F9E]  }
0x1a: {  	s8 =	sadd.s32 $0xFFFFE003, lr  }
0x1b: {  	s9 =	sadd.s32 $0xFFFFFEF7, lr;
	s5 =	simm.s32 $0xFFFFFFFF;
	p2 =	slt.u32 s8, $0xFFFFF086  }
0x1c: {  	p1 =	slt.u32 s9, $0xF7A;
	s5 =	simm.s32 @!p2 $0x0  }
0x1d: {  	s5 =	simm.s32 @p1 $0x1;
	p0 =	seq.s32 s7, s2  }
0x1e: {  	s7 =	smul.u32 @!p0 $0xF7A, s2;
	p2 =	seq.s32 @!p0 s5, $0x0  }
0x1f: {  	s9 =	smul.u32 $0xF7A, s1;
	s8 =	simm.s32 @!p0 $0x1BF5;
	p2 =	por !p2, p0  }
0x20: {  	[sflag:s8] =	ssyncset.s32 @!p0 $0xFFFFF086;
	s6 =	sadd.s32 @!p0 s3, s7;
	s7 =	simm.s32 @!p0 $0x108  }
0x21: {  	s3 =	sadd.s32 s3, s9;
	s6 =	sadd.s32 @!p0 $0x88, s6;
	s7 =	simm.s32 @p2 $0x1082  }
0x22: {  	[simem:s7], [sflag:s8] =	dma.local @!p0 [hbm:s6], $0xF7A  }
0x23: {  	s9 =	sor.u32 $0xD0000000, s2;
	s6 =	simm.s32 $0x108;
	_ =	swait.ge @!p0 [sflag:s8], $0x0  }
0x24: {  	s3 =	sadd.s32 $0x88, s3;
	s6 =	simm.s32 @!p1 $0x1082;
	[sflag:s4] =	ssyncset.s32 $0xFFFFF086  }
0x25: {  	[simem:s6], [sflag:s4] =	dma.local [hbm:s3], $0xF7A  }
0x26: {  	[smem:$0x3F9E] =	sst s1;
	(tag) =	ssettag s2;
	_ =	strace s9  }
0x27: {  	s1 =	sld [smem:$0x3FAE]  }
0x28: {  	s2 =	sld [smem:$0x3FAF]  }
0x29: {  	s4 =	sld [smem:$0x3FB1]  }
0x2a: {  	p0 =	seq.s32 s5, $0x0;
	s5 =	sld [smem:$0x3FB2]  }
0x2b: {  	s6 =	sld [smem:$0x3FB3]  }
0x2c: {  	s7 =	sld [smem:$0x3FB4]  }
0x2d: {  	s3 =	simm.s32 $0x108;
	s8 =	sld [smem:$0x3FB5]  }
0x2e: {  	s3 =	simm.s32 @!p0 $0x1082;
	s9 =	sld [smem:$0x3FB6]  }
0x2f: {  	lr =	sadd.s32 s0, s3;
	s0 =	sld [smem:$0x3FAD]  }
0x30: {  	s3 =	sld [smem:$0x3FB0]  }
0x31: {  	[smem:$0x3FB9] =	sst s10  }
0x32: {  	s10 =	sld [smem:$0x3FB7];
	_ =	sdelay $0x3  }
0x33: {  	p0 =	seq.s32 s10, $0x1;
	s10 =	sld [smem:$0x3FB9];
	_ =	sdelay $0x3  }
0x34: {  	[smem:$0x3FB9] =	sst s10  }
0x35: {  	s10 =	sld [smem:$0x3FB8];
	_ =	sdelay $0x3  }
0x36: {  	p1 =	seq.s32 s10, $0x1;
	s10 =	sld [smem:$0x3FB9];
	_ =	sdelay $0x3  }
0x37: {  	[smem:$0x3FB9] =	sst s10  }
0x38: {  	s10 =	sld [smem:$0x3FBA]  }
0x39: {  	_ = 	snop;
	(pc) =	sbr.ind lr, $3  }
0x3a: {  	_ = 	snop  }
0x3b: {  	_ = 	snop  }
0x3c: {  	p2 =	seq.s32 s10, $0x1;
	s10 =	sld [smem:$0x3FB9]  }
0x3d: {  	_ =	shalt  }
0x3e: {  	_ =	shalt  }
0x3f: {  	_ =	shalt  }
0x40: {  	_ =	shalt  }
0x41: {  	_ =	shalt  }
0x42: {  	_ =	shalt  }
0x43: {  	_ =	shalt  }
0x44: {  	_ =	shalt  }
0x45: {  	_ =	shalt  }
0x46: {  	_ =	shalt  }
0x47: {  	_ =	shalt  }
0x48: {  	_ =	shalt  }
0x49: {  	_ =	shalt  }
0x4a: {  	_ =	shalt  }
0x4b: {  	_ =	shalt  }
0x4c: {  	_ =	shalt  }
0x4d: {  	_ =	shalt  }
0x4e: {  	_ =	shalt  }
0x4f: {  	_ =	shalt  }
0x50: {  	_ =	shalt  }
0x51: {  	_ =	shalt  }
0x52: {  	_ =	shalt  }
0x53: {  	_ =	shalt  }
0x54: {  	_ =	shalt  }
0x55: {  	_ =	shalt  }
0x56: {  	_ =	shalt  }
0x57: {  	_ =	shalt  }
0x58: {  	_ =	shalt  }
0x59: {  	_ =	shalt  }
0x5a: {  	_ =	shalt  }
0x5b: {  	_ =	shalt  }
0x5c: {  	_ =	shalt  }
0x5d: {  	_ =	shalt  }
0x5e: {  	_ =	shalt  }
0x5f: {  	_ =	shalt  }
0x60: {  	_ =	shalt  }
0x61: {  	_ =	shalt  }
0x62: {  	_ =	shalt  }
0x63: {  	_ =	shalt  }
0x64: {  	_ =	shalt  }
0x65: {  	_ =	shalt  }
0x66: {  	_ =	shalt  }
0x67: {  	_ =	shalt  }
0x68: {  	_ =	shalt  }
0x69: {  	_ =	shalt  }
0x6a: {  	_ =	shalt  }
0x6b: {  	_ =	shalt  }
0x6c: {  	_ =	shalt  }
0x6d: {  	_ =	shalt  }
0x6e: {  	_ =	shalt  }
0x6f: {  	_ =	shalt  }
0x70: {  	_ =	shalt  }
0x71: {  	_ =	shalt  }
0x72: {  	_ =	shalt  }
0x73: {  	_ =	shalt  }
0x74: {  	_ =	shalt  }
0x75: {  	_ =	shalt  }
0x76: {  	_ =	shalt  }
0x77: {  	_ =	shalt  }
0x78: {  	_ =	shalt  }
0x79: {  	_ =	shalt  }
0x7a: {  	_ =	shalt  }
0x7b: {  	_ =	shalt  }
0x7c: {  	_ =	shalt  }
0x7d: {  	_ =	shalt  }
0x7e: {  	_ =	shalt  }
0x7f: {  	_ =	shalt  }
0x80: {  	_ =	shalt  }
0x81: {  	_ =	shalt  }
0x82: {  	_ =	shalt  }
0x83: {  	_ =	shalt  }
0x84: {  	_ =	shalt  }
0x85: {  	_ =	shalt  }
0x86: {  	_ =	shalt  }
0x87: {  	_ =	shalt  }
.Lfunc_end0:
.L_simem_size_0:
called_computation_lowered:
.L_overlay_start_0:
0x88: {  	s2 =	sld [smem:$0x3FD9]  }
0x89: {  	s3 =	sld [smem:$0x3FFE];
	_ =	sdelay $0x1  }
0x8a: {  	s1 =	srdreg.scid  }
0x8b: {  	s0 =	sand.u32 $0x1, s1  }
0x8c: {  	s14 =	sshll.u32 s0, $0xA;
	s2 =	sadd.s32 s3, s2  }
0x8d: {  	s2 =	sadd.s32 s2, s14  }
0x8e: {  	[smem:$0x3FC5] =	sst s2  }
0x8f: {  	_ = 	snop  }
0x90: {  	s2 =	sld [smem:$0x3FD0];
	_ =	sdelay $0x2  }
0x91: {  	s15 =	simm.s32 $0xA;
	s4 =	simm.s32 $0x10  }
0x92: {  	[smem:s4], [sflag:s15] =	dma.local [hbm:s2], $0x1  }
0x93: {  	_ =	swait.eq [sflag:s15], $0x1  }
0x94: {  	[sflag:s15] =	ssyncset.done $0x0  }
0x95: {  	[sflag:s15] =	ssyncadd.s32 $0xFFFFFFFF  }
0x96: {  	s16 =	sld [smem:$0x11];
	(tm) =	ssettm $0x1  }
0x97: {  	s17 =	sld [smem:$0x3FFB];
	_ =	sdelay $0x3  }
0x98: {  	_ =	strace s17  }
0x99: {  	s3 =	sld [smem:$0x3FFC];
	_ =	sdelay $0x3  }
0x9a: {  	_ =	strace s3  }
0x9b: {  	s3 =	sld [smem:$0x3FFD];
	_ =	sdelay $0x3  }
0x9c: {  	_ =	strace s3  }
0x9d: {  	_ =	strace $0x8FFFFFFF  }
0x9e: {  	s18 =	sld [smem:$0x3FDB];
	_ =	sdelay $0x1  }
0x9f: {  	s19 =	simm.s32 $_scs_section_size  }
0xa0: {  	s5 =	simm.s32 $_size__tile_overlayer_lowered;
	s6 =	simm.s32 $_tile_overlayer_lowered  }
0xa1: {  	s22 =	simm.s32 $0x1BFF;
	s21 =	sshll.u32 s6, $0x1;
	s3 =	sadd.s32 s19, s18  }
0xa2: {  	s7 =	simm.s32 $0x0;
	s20 =	sshll.u32 s5, $0x1;
	s5 =	sadd.s32 s21, s3  }
0xa3: {  	[timem:s7], [sflag:s22] =	dma.local [hbm:s5], s20  }
0xa4: {  	_ =	swait.ge [sflag:s22], s20  }
0xa5: {  	s4 =	ssub.s32 $0x0, s20;
	[sflag:s22] =	ssyncset.done $0x0  }
0xa6: {  	[sflag:s22] =	ssyncadd.s32 s4;
	_ =	sdelay $0x1  }
0xa7: {  	s23 =	simm.s32 $0x1B8B  }
0xa8: {  	_ =	swait.ge [sflag:s23], $0x1  }
0xa9: {  	[sflag:s23] =	ssyncset.done $0x0  }
0xaa: {  	s25 =	simm.s32 $0x1B8E;
	s24 =	sld [smem:$0x3FFE];
	[sflag:s23] =	ssyncadd.s32 $0xFFFFFFFF  }
0xab: {  	s26 =	simm.s32 $execute0_lowered;
	[smem:$0x3FD2] =	sst s25  }
0xac: {  	s5 =	sshll.u32 s26, $0x1;
	_ =	strace $0x80000046;
	[dreg:$0x1] =	wrdreg $0xFFFFFFFF  }
0xad: {  	s28 =	simm.s32 $_size_execute0_lowered;
	s3 =	sadd.s32 s3, s5;
	[dreg:$0x0] =	wrdreg $0x0  }
0xae: {  	s5 =	sshll.u32 s28, $0x1;
	[dreg:$0x2] =	wrdreg s3  }
0xaf: {  	[dreg:$0x3] =	wrdreg s5  }
0xb0: {  	[dreg:$0x4] =	wrdreg $0xC0  }
0xb1: {  	_ =	task [dreg:s7], $0x5FFFF  }
0xb2: {  	[dreg:$0x1] =	wrdreg $0xFFFFFFFF  }
0xb3: {  	[dreg:$0x0] =	wrdreg $0x60  }
0xb4: {  	[dreg:$0x2] =	wrdreg s24  }
0xb5: {  	[dreg:$0x3] =	wrdreg s16  }
0xb6: {  	[dreg:$0x4] =	wrdreg $0x9  }
0xb7: {  	_ =	task.clear_ibuf [dreg:s7], $0x5FFFF;
	_ =	strace $0x90000046  }
0xb8: {  	s29 =	simm.s32 $0x9;
	_ =	strace $0x80000048  }
0xb9: {  	_ =	swait.ge [sflag:s29], $0x1  }
0xba: {  	[sflag:s29] =	ssyncadd.s32 $0xFFFFFFFF  }
0xbb: {  	_ =	strace $0x90000048  }
0xbc: {  	_ =	sfence  }
0xbd: {  	s30 =	sld [smem:$0x0];
	_ =	sdelay $0x2  }
0xbe: {  	s31 =	sshll.u32 s1, $0xD;
	s1 =	sshrl.u32 s1, $0x2  }
0xbf: {  	s3 =	sand.u32 $0x4000, s31;
	s1 =	sadd.s32 s1, s30  }
0xc0: {  	s0 =	sor.u32 s3, s0;
	s1 =	sshll.u32 s1, $0x11  }
0xc1: {  	s0 =	sor.u32 s1, s0  }
0xc2: {  	s0 =	sadd.s32 $0x8F2B, s0  }
0xc3: {  	[sflag:s0] =	ssyncadd.remote.s32 $0x1  }
0xc4: {  	_ =	sfence.sel $0xFFFF  }
0xc5: {  	[dreg:$0x0] =	wrdreg $0xFFFFFFFF;
	(pc) =	sbr.abs _section_cstart, $3  }
0xc6: {  	[dreg:$0x1] =	wrdreg $0xFFFFFFFF  }
0xc7: {  	_ =	task.clear_ibuf [dreg:s7], $0x2FFFF;
	_ =	strace $0x9FFFFFFF  }
0xc8: {  	(tm) =	ssettm $0x7FFFFFFF  }
0xc9: {  	_ =	shalt  }
tec
execute0_lowered:
.L_overlay_start_1:
0x0: {  	(tag) =	ssettag $0x1  }
0x1: {  	s1 =	stileid.u32  }
0x2: {  	p0 =	sgt.u32 s1, $0x1  }
.Ltmp0:
0x3: {  	_ = 	snop;
	(pc) =	sbr.rel @p0 .LBB2_28-.Ltmp0, $4  }
0x4: {  	s4 =	rddreg [dreg:$0x0]  }
0x5: {  	s3 =	rddreg [dreg:$0x1];
	s2 =	simm.s32 $0x0  }
0x6: {  	[smem:$0x7FF] =	sst s2  }
0x7: {  	s0 =	rddreg [dreg:$0x2];
	_ =	strace $0x80000047  }
0x8: {  	s5 =	srdreg.scid;
	s7 =	sshll.u32 s1, $0x5;
	s9 =	simm.s32 $0x2000  }
.Ltmp1:
0x9: {  	s10 =	simm.s32 $0x2200;
	s5 =	sand.u32 $0x1, s5;
	(pc) =	sbr.rel .LBB2_2-.Ltmp1, $4  }
0xa: {  	s11 =	simm.s32 $0x2400;
	s6 =	ssub.s32 $0x2, s5;
	s5 =	sshll.u32 s5, $0x4  }
0xb: {  	s8 =	sshrl.u32 s6, $0x1;
	s5 =	sor.u32 s5, s7;
	s7 =	simm.s32 $0x200  }
0xc: {  	s6 =	ssub.s32 s6, s8;
	s3 =	sadd.s32 s3, s5;
	s4 =	sadd.s32 s4, s5  }
0xd: {  	v0 =	vimm.s32 $0x0;
	v1 =	vlaneseq.u32;
	v2 =	vimm.f32 $-1.000000000e+00;
	s8 =	simm.s32 $0x1;
	s5 =	smax.u32 s6, $0x1;
	s6 =	simm.s32 $0x80  }
.LBB2_27:
0xe: {  	s2 =	sadd.s32 $0x1, s2  }
0xf: {  	p0 =	sne.s32 s2, s5  }
.Ltmp2:
0x10: {  	_ = 	snop;
	(pc) =	sbr.rel @!p0 .LBB2_28-.Ltmp2, $4  }
0x11: {  	[hbm4b:s3+s6] =	stream.strided.scatter [tilespmem:s11], [sflag:$0x1], $0x200, s7, s6, $0x38;
	[tilespmem:$0x2600] =	vst v63  }
0x12: {  	_ =	swait.ge [sflag:s8], $0x200  }
0x13: {  	[sflag:s8] =	ssyncset.done $0x0  }
0x14: {  	[sflag:s8] =	ssyncadd.s32 $0xFFFFFE00  }
.LBB2_2:
0x15: {  	s12 =	simm.s32 $0x0  }
0x16: {  	[tilespmem:s12], [sflag:$0x1] =	stream.strided.gather [hbm4b:s4+s6], $0x2000, s7, s6, $0x38;
	[tilespmem:$0x2600] =	vst v63  }
0x17: {  	_ =	swait.ge [sflag:s8], $0x2000  }
0x18: {  	[sflag:s8] =	ssyncset.done $0x0  }
0x19: {  	s13 =	simm.s32 $0x0;
	[sflag:s8] =	ssyncadd.s32 $0xFFFFE000  }
0x1a: {  	v4 =	vld [tilespmem:s13+$0x0]  }
0x1b: {  	v3 =	vimm.s32 $0x0;
	s12 =	simm.s32 $0x40  }
.LBB2_3:
0x1c: {  	p0 =	sne.s32 s12, $0x7FC0  }
.Ltmp3:
0x1d: {  	_ = 	snop;
	(pc) =	sbr.rel @p0 .LBB2_3-.Ltmp3, $4  }
0x1e: {  	_ = 	snop  }
0x1f: {  	s13 =	sshra.s32 s12, $0x2;
	s12 =	sadd.s32 $0x40, s12;
	vm0 =	vgt.f32 v4, $0.0e+00  }
0x20: {  	v4 =	vld [tilespmem:s13+$0x0];
	v5 =	vsel vm0, $0x1, v0  }
0x21: {  	v3 =	vadd.s32 v5, v3  }
0x22: {  	_ =	sdelay $0x2  }
0x23: {  	vm0 =	vgt.f32 v4, $0.0e+00  }
0x24: {  	v4 =	vsel vm0, $0x1, v0  }
0x25: {  	v3 =	vadd.s32 v4, v3  }
0x26: {  	(xrf0) =	vadd.scan.msk.s32 $0xffff, v3;
	_ =	sdelay $0x5  }
0x27: {  	v3, _, _ =	vpop (xrf0)  }
0x28: {  	(v2sf) =	vpush v3, $0xF;
	_ =	sdelay $0xe  }
0x29: {  	s12 =	spop (v2sf)  }
0x2a: {  	p0 =	slt.s32 s12, $0x200  }
.Ltmp4:
0x2b: {  	_ = 	snop;
	(pc) =	sbr.rel @!p0 .LBB2_5-.Ltmp4, $2  }
0x2c: {  	_ =	sdelay $0x2  }
0x2d: {  	s12 =	simm.s32 $0x0  }
0x2e: {  	v3 =	vld [tilespmem:s12+$0x0];
	_ =	sdelay $0x4  }
0x2f: {  	vm0 =	vgt.f32 v3, $0.0e+00  }
0x30: {  	v4 =	vsel vm0, $0x1, v0  }
0x31: {  	(xrf0) =	vadd.scan.msk.s32 $0xffff, v4;
	_ =	sdelay $0x2  }
0x32: {  	v4 =	vmov s12  }
0x33: {  	v4 =	vadd.s32 $0xFFFFFFFF, v4  }
0x34: {  	v4 =	vbroadcast v4, $0x0  }
0x35: {  	v5, _, _ =	vpop (xrf0)  }
0x36: {  	v4 =	vadd.s32 v5, v4;
	(v2sf) =	vpush v5, $0xF;
	_ =	sdelay $0x4  }
0x37: {  	[tilespmem:v4+s9+$0x0] =	vst.idx.msk vm0, v3;
	v3 =	vor.u32 s12, v1  }
0x38: {  	s13 =	simm.s32 $0x10;
	[tilespmem:v4+s10+$0x0] =	vst.idx.msk vm0, v3  }
0x39: {  	s14 =	simm.s32 $0x20;
	s15 =	simm.s32 $0x10;
	v3 =	vld [tilespmem:s13+$0x0]  }
.LBB2_10:
0x3a: {  	p0 =	seq.s32 s14, $0x1FF0;
	_ =	sdelay $0x3  }
0x3b: {  	vm0 =	vgt.f32 v3, $0.0e+00  }
0x3c: {  	v4 =	vsel vm0, $0x1, v0  }
0x3d: {  	(xrf0) =	vadd.scan.msk.s32 $0xffff, v4  }
0x3e: {  	s16 =	spop (v2sf)  }
0x3f: {  	s12 =	sadd.s32 s12, s16  }
0x40: {  	v4 =	vmov s12  }
0x41: {  	v4 =	vadd.s32 $0xFFFFFFFF, v4  }
0x42: {  	v4 =	vbroadcast v4, $0x0  }
0x43: {  	v5, _, _ =	vpop (xrf0)  }
0x44: {  	v4 =	vadd.s32 v5, v4;
	(v2sf) =	vpush v5, $0xF;
	_ =	sdelay $0x2  }
.Ltmp5:
0x45: {  	(pc) =	sbr.rel @!p0 .LBB2_10-.Ltmp5, $4  }
0x46: {  	_ = 	snop  }
0x47: {  	[tilespmem:v4+s9+$0x0] =	vst.idx.msk vm0, v3;
	v3 =	vor.u32 s13, v1;
	s13 =	smov.u32 s14  }
0x48: {  	s15 =	sadd.s32 $0x10, s15;
	[tilespmem:v4+s10+$0x0] =	vst.idx.msk vm0, v3  }
0x49: {  	s14 =	sadd.s32 $0x10, s14;
	v3 =	vld [tilespmem:s15+$0x0]  }
0x4a: {  	_ =	sdelay $0x3  }
0x4b: {  	vm0 =	vgt.f32 v3, $0.0e+00  }
0x4c: {  	v4 =	vsel vm0, $0x1, v0  }
0x4d: {  	(xrf0) =	vadd.scan.msk.s32 $0xffff, v4;
	_ =	sdelay $0x5  }
0x4e: {  	v4, _, _ =	vpop (xrf0)  }
0x4f: {  	(v2sf) =	vpush v4, $0xF;
	_ =	sdelay $0x4  }
0x50: {  	s14 =	spop (v2sf)  }
0x51: {  	s12 =	sadd.s32 s12, s14  }
0x52: {  	v5 =	vmov s12  }
0x53: {  	v5 =	vadd.s32 $0xFFFFFFFF, v5  }
0x54: {  	v5 =	vbroadcast v5, $0x0;
	_ =	sdelay $0x1  }
0x55: {  	v4 =	vadd.s32 v4, v5;
	_ =	sdelay $0x3  }
0x56: {  	s30 =	spop (v2sf)  }
0x57: {  	s31 =	simm.s32 $0x0;
	[tilespmem:v4+s9+$0x0] =	vst.idx.msk vm0, v3;
	v3 =	vor.u32 s13, v1;
	s12 =	sadd.s32 s12, s30  }
0x58: {  	[tilespmem:v4+s10+$0x0] =	vst.idx.msk vm0, v3;
	v4 =	vor.u32 s31, v1;
	v3 =	vmov s12  }
0x59: {  	s13 =	simm.s32 $0x10;
	vm0 =	vge.s32 v4, v3  }
.LBB2_12:
0x5a: {  	p0 =	seq.s32 s13, $0x1F0  }
.Ltmp6:
0x5b: {  	_ = 	snop;
	(pc) =	sbr.rel @!p0 .LBB2_12-.Ltmp6, $3  }
0x5c: {  	_ =	sdelay $0x1  }
0x5d: {  	v5 =	vor.u32 s13, v1;
	s13 =	sadd.s32 $0x10, s13  }
0x5e: {  	[tilespmem:v4+s9+$0x0] =	vst.idx.msk vm0, v2;
	vm0 =	vge.s32 v5, v3;
	v4 =	vmov v5  }
0x5f: {  	p0 =	slt.s32 s12, $0x1  }
.Ltmp7:
0x60: {  	_ = 	snop;
	(pc) =	sbr.rel @p0 .LBB2_25-.Ltmp7, $2  }
0x61: {  	_ =	sdelay $0x2  }
0x62: {  	[tilespmem:v4+s9+$0x0] =	vst.idx.msk vm0, v2  }
0x63: {  	s13 =	sadd.s32 $0xF, s12  }
0x64: {  	s14 =	sand.u32 $0xF, s13  }
0x65: {  	s15 =	sshra.s32 s13, $0x1F;
	p0 =	slt.s32 s13, $0x1;
	p1 =	sne.s32 s14, $0x0  }
.Ltmp8:
0x66: {  	s31 =	sshrl.u32 s15, $0x1C;
	p0 =	por !p0, !p1;
	(pc) =	sbr.rel .LBB2_15-.Ltmp8, $4  }
0x67: {  	s14 =	simm.s32 $0x1;
	s13 =	sadd.s32 s31, s13;
	p0 =	por !p0, !p0  }
0x68: {  	s13 =	sshra.s32 s13, $0x4;
	s14 =	simm.s32 @!p0 $0x0  }
0x69: {  	s16 =	simm.s32 $0xFFFFFFFF;
	s13 =	ssub.s32 s13, s14  }
0x6a: {  	s15 =	simm.f32 $2.000000000e+00;
	s14 =	simm.s32 $0x0;
	p0 =	slt.s32 s13, $0x1  }
.LBB2_16:
0x6b: {  	v3 =	vimm.s32 $0x80002000;
	v4 =	vimm.f32 $-1.000000000e+00  }
.LBB2_24:
0x6c: {  	(xrf0) =	vmax.scan.msk.f32 $0xffff, v4;
	_ =	sdelay $0x5  }
0x6d: {  	v5, _, _ =	vpop (xrf0)  }
0x6e: {  	v6 =	vbroadcast v5, $0xF;
	_ =	sdelay $0x1  }
0x6f: {  	vm0 =	veq.f32 v4, v6  }
0x70: {  	v3 =	vnsel vm0, $0x80002000, v3  }
0x71: {  	(xrf0) =	vmin.scan.msk.u32 $0xffff, v3;
	_ =	sdelay $0x5  }
0x72: {  	(v2sf) =	vpush v5, $0xF;
	v3, _, _ =	vpop (xrf0)  }
0x73: {  	(v2sf) =	vpush v3, $0xF;
	_ =	sdelay $0xb  }
0x74: {  	v3 =	vmov s14;
	s14 =	sadd.s32 $0x1, s14  }
0x75: {  	p1 =	seq.s32 s14, s12  }
.Ltmp9:
0x76: {  	s15 =	spop (v2sf);
	(pc) =	sbr.rel @p1 .LBB2_25-.Ltmp9, $4  }
0x77: {  	s16 =	spop (v2sf)  }
0x78: {  	s16 =	sxor.u32 $0x80000000, s16  }
0x79: {  	v63 =	vmov s16  }
0x7a: {  	[tilespmem:v3+s11+$0x0] =	vst.idx.msk $0x1, v63  }
.LBB2_15:
.Ltmp10:
0x7b: {  	(pc) =	sbr.rel @p0 .LBB2_16-.Ltmp10, $1  }
0x7c: {  	_ =	sdelay $0x3  }
0x7d: {  	s17 =	simm.s32 $0x2000  }
0x7e: {  	p2 =	sne.s32 s13, $0x1;
	v12 =	vld [tilespmem:s17+$0x0]  }
.Ltmp11:
0x7f: {  	_ = 	snop;
	(pc) =	sbr.rel @!p2 .LBB2_18-.Ltmp11, $3  }
0x80: {  	_ =	sdelay $0x1  }
0x81: {  	v5 =	vmov s15;
	v6 =	vmov s16;
	s31 =	simm.s32 $0x2200  }
0x82: {  	v4 =	vimm.f32 $-1.000000000e+00;
	v3 =	vimm.s32 $0x2000;
	s16 =	sadd.s32 $0xFFFFFFFF, s13;
	s15 =	simm.s32 $0x2010;
	p1 =	por $0x0, $0x0;
	v13 =	vld [tilespmem:s31+$0x0];
	vm0 =	vlt.f32 v12, v5  }
0x83: {  	_ =	sdelay $0x3  }
0x84: {  	vm1 =	veq.f32 v12, v5;
	vm2 =	vgt.s32 v13, v6  }
0x85: {  	vm1 =	vmand vm1, vm2  }
0x86: {  	v11 =	vld [tilespmem:s15+$0x0];
	s15 =	simm.s32 $0x2210;
	p2 =	sne.s32 s16, $0x1;
	vm0 =	vmor vm0, vm1  }
.Ltmp12:
0x87: {  	v8 =	vnsel vm0, $0x2000, v13;
	v13 =	vld [tilespmem:s15+$0x0];
	(pc) =	sbr.rel @!p2 .LBB2_20-.Ltmp12, $4  }
0x88: {  	_ = 	snop  }
0x89: {  	v9 =	vimm.f32 $-1.000000000e+00;
	v7 =	vnsel vm0, $0xBF800000, v12  }
0x8a: {  	v10 =	vimm.s32 $0x2000;
	vm2 =	veq.f32 v7, v4;
	vm3 =	vlt.s32 v8, v3  }
0x8b: {  	s16 =	sadd.s32 $0xFFFFFFFF, s16;
	s17 =	simm.s32 $0x2020;
	p1 =	por $0x1, $0x1;
	vm0 =	vlt.f32 v11, v5;
	vm1 =	vgt.f32 v7, v4;
	vm2 =	vmand vm2, vm3  }
.LBB2_21:
0x8c: {  	v12 =	vld [tilespmem:s17+$0x0];
	vm3 =	veq.f32 v11, v5;
	vm4 =	vgt.s32 v13, v6;
	s15 =	sadd.s32 $0x10, s15;
	vm1 =	vmor vm1, vm2;
	v14 =	vmovc v13;
	p2 =	sne.s32 s16, $0x1  }
.Ltmp13:
0x8d: {  	s16 =	sadd.s32 $0xFFFFFFFF, s16;
	v13 =	vld [tilespmem:s15+$0x0];
	vm2 =	vmand vm3, vm4;
	v9 =	vsel vm1, v7, v9;
	v10 =	vsel vm1, v8, v10;
	(pc) =	sbr.rel @p2 .LBB2_21-.Ltmp13, $4  }
0x8e: {  	vm0 =	vmor vm0, vm2  }
0x8f: {  	v7 =	vnsel vm0, $0xBF800000, v11;
	v8 =	vnsel vm0, $0x2000, v14  }
0x90: {  	vm2 =	veq.f32 v7, v9;
	vm3 =	vlt.s32 v8, v10  }
0x91: {  	s17 =	sadd.s32 $0x10, s17;
	vm1 =	vgt.f32 v7, v9;
	vm0 =	vlt.f32 v12, v5;
	vm2 =	vmand vm2, vm3;
	v11 =	vmovc v12  }
0x92: {  	v12 =	vmov v11  }
.LBB2_23:
0x93: {  	vm3 =	veq.f32 v12, v5;
	vm4 =	vgt.s32 v13, v6;
	vm1 =	vmor @p1 vm1, vm2  }
0x94: {  	vm3 =	vmand vm3, vm4;
	v5 =	vsel @p1 vm1, v7, v9  }
0x95: {  	v6 =	vsel @p1 vm1, v8, v10;
	vm0 =	vmor vm0, vm3;
	v4 =	vpsel p1, v5, v4  }
0x96: {  	v3 =	vpsel p1, v6, v3;
	v7 =	vnsel vm0, $0xBF800000, v12;
	v63 =	vnsel vm0, $0x2000, v13  }
.Ltmp14:
0x97: {  	vm13 =	veq.f32 v7, v4;
	vm14 =	vlt.s32 v63, v3;
	(pc) =	sbr.rel .LBB2_24-.Ltmp14, $4  }
0x98: {  	vm15 =	vgt.f32 v7, v4;
	vm0 =	vmand vm13, vm14  }
0x99: {  	vm0 =	vmor vm15, vm0  }
0x9a: {  	v3 =	vsel vm0, v63, v3  }
0x9b: {  	v4 =	vsel vm0, v7, v4;
	v3 =	vxor.u32 $0x80000000, v3  }
.LBB2_18:
.Ltmp15:
0x9c: {  	(pc) =	sbr.rel .LBB2_23-.Ltmp15, $2  }
0x9d: {  	_ =	sdelay $0x2  }
0x9e: {  	v9 =	vimm.f32 $-1.000000000e+00;
	v10 =	vimm.s32 $0x2000  }
.LBB2_20:
.Ltmp16:
0x9f: {  	(pc) =	sbr.rel .LBB2_23-.Ltmp16, $2  }
0xa0: {  	_ =	sdelay $0x2  }
0xa1: {  	v12 =	vmov v11;
	v9 =	vimm.f32 $-1.000000000e+00;
	v10 =	vimm.s32 $0x2000  }
.LBB2_5:
0xa2: {  	s14 =	simm.f32 $2.000000000e+00;
	s15 =	simm.s32 $0xFFFFFFFF;
	s13 =	simm.s32 $0x0  }
.LBB2_6:
0xa3: {  	v7 =	vld [tilespmem:s12+$0x0];
	_ =	sdelay $0x2  }
0xa4: {  	s31 =	simm.s32 $0x10  }
0xa5: {  	v3 =	vmov s14;
	v4 =	vmov s15;
	v8 =	vor.u32 s12, v1;
	v9 =	vld [tilespmem:s31+$0x0]  }
0xa6: {  	vm0 =	vgt.s32 v8, v4;
	vm1 =	veq.f32 v7, v3  }
0xa7: {  	vm2 =	vlt.f32 v7, v3;
	vm0 =	vmand vm0, vm1  }
0xa8: {  	v5 =	vimm.f32 $-1.000000000e+00;
	vm0 =	vmor vm2, vm0  }
0xa9: {  	v6 =	vimm.s32 $0x2000;
	v10 =	vnsel vm0, $0xBF800000, v7;
	v8 =	vnsel vm0, $0x2000, v8  }
0xaa: {  	vm3 =	veq.f32 v9, v3;
	vm1 =	veq.f32 v10, v5;
	vm2 =	vlt.s32 v8, v6  }
0xab: {  	v7 =	vor.u32 s31, v1;
	vm4 =	vgt.f32 v10, v5;
	vm2 =	vmand vm1, vm2  }
0xac: {  	s14 =	simm.s32 $0x20;
	s15 =	simm.s32 $0x20;
	vm0 =	vgt.s32 v7, v4;
	vm1 =	vlt.f32 v9, v3;
	vm2 =	vmor vm4, vm2  }
.LBB2_7:
0xad: {  	v11 =	vld [tilespmem:s15+$0x0];
	p0 =	sne.s32 s14, $0x1FF0;
	vm0 =	vmand vm0, vm3;
	v5 =	vsel vm2, v10, v5;
	v6 =	vsel vm2, v8, v6;
	s16 =	smov.u32 s14;
	s14 =	sadd.s32 $0x10, s14  }
.Ltmp17:
0xae: {  	vm0 =	vmor vm1, vm0;
	(pc) =	sbr.rel @p0 .LBB2_7-.Ltmp17, $4  }
0xaf: {  	v10 =	vnsel vm0, $0xBF800000, v9;
	v8 =	vnsel vm0, $0x2000, v7  }
0xb0: {  	v7 =	vor.u32 s16, v1;
	vm1 =	veq.f32 v10, v5;
	vm2 =	vlt.s32 v8, v6  }
0xb1: {  	vm0 =	vgt.s32 v7, v4;
	vm4 =	vgt.f32 v10, v5;
	vm2 =	vmand vm1, vm2  }
0xb2: {  	s15 =	sadd.s32 $0x10, s15;
	vm1 =	vlt.f32 v11, v3;
	vm3 =	veq.f32 v11, v3;
	vm2 =	vmor vm4, vm2;
	v9 =	vmovc v11  }
0xb3: {  	vm0 =	vmand vm0, vm3  }
0xb4: {  	v3 =	vsel vm2, v10, v5;
	vm0 =	vmor vm1, vm0  }
0xb5: {  	v4 =	vsel vm2, v8, v6;
	v59 =	vnsel vm0, $0xBF800000, v9;
	v60 =	vnsel vm0, $0x2000, v7  }
0xb6: {  	vm12 =	veq.f32 v59, v3;
	vm13 =	vlt.s32 v60, v4  }
0xb7: {  	vm14 =	vgt.f32 v59, v3;
	vm0 =	vmand vm12, vm13  }
0xb8: {  	vm0 =	vmor vm14, vm0  }
0xb9: {  	v3 =	vsel vm0, v59, v3  }
0xba: {  	(xrf0) =	vmax.scan.msk.f32 $0xffff, v3;
	_ =	sdelay $0x5  }
0xbb: {  	v61, _, _ =	vpop (xrf0)  }
0xbc: {  	v62 =	vbroadcast v61, $0xF  }
0xbd: {  	v4 =	vsel vm0, v60, v4  }
0xbe: {  	vm15 =	veq.f32 v3, v62;
	v3 =	vxor.u32 $0x80000000, v4  }
0xbf: {  	v3 =	vnsel vm15, $0x80002000, v3  }
0xc0: {  	(xrf0) =	vmin.scan.msk.u32 $0xffff, v3;
	_ =	sdelay $0x5  }
0xc1: {  	(v2sf) =	vpush v61, $0xF;
	v3, _, _ =	vpop (xrf0)  }
0xc2: {  	(v2sf) =	vpush v3, $0xF;
	_ =	sdelay $0xb  }
0xc3: {  	v3 =	vmov s13;
	s13 =	sadd.s32 $0x1, s13  }
0xc4: {  	p0 =	sne.s32 s13, $0x200  }
.Ltmp18:
0xc5: {  	s14 =	spop (v2sf);
	(pc) =	sbr.rel @p0 .LBB2_6-.Ltmp18, $4  }
.Ltmp19:
0xc6: {  	s15 =	spop (v2sf);
	(pc) =	sbr.rel @!p0 .LBB2_27-.Ltmp19, $4  }
0xc7: {  	s15 =	sxor.u32 $0x80000000, s15  }
0xc8: {  	v63 =	vmov s15  }
0xc9: {  	[tilespmem:v3+s11+$0x0] =	vst.idx.msk $0x1, v63  }
0xca: {  	_ = 	snop  }
.LBB2_25:
0xcb: {  	s13 =	ssub.s32 $0x200, s12  }
0xcc: {  	p0 =	sgt.s32 s13, $0x0  }
.Ltmp20:
0xcd: {  	_ = 	snop;
	(pc) =	sbr.rel @!p0 .LBB2_27-.Ltmp20, $3  }
0xce: {  	_ =	sdelay $0x1  }
0xcf: {  	s17 =	simm.s32 $0x0  }
0xd0: {  	s14 =	simm.s32 $0x0;
	s15 =	simm.s32 $0x0;
	s16 =	simm.s32 $0x0  }
.LBB2_26:
0xd1: {  	v3 =	vld [tilespmem:s15+$0x0];
	_ =	sdelay $0x4  }
0xd2: {  	vm0 =	veq.f32 v3, $0.0e+00  }
0xd3: {  	v3 =	vsel vm0, $0x1, v0  }
0xd4: {  	(xrf0) =	vadd.scan.msk.s32 $0xffff, v3;
	_ =	sdelay $0x5  }
0xd5: {  	v3, _, _ =	vpop (xrf0)  }
0xd6: {  	(v2sf) =	vpush v3, $0xF;
	_ =	sdelay $0x9  }
0xd7: {  	s18 =	sadd.s32 s12, s16  }
0xd8: {  	v4 =	vmov s18  }
0xd9: {  	v4 =	vadd.s32 $0xFFFFFFFF, v4  }
0xda: {  	v4 =	vbroadcast v4, $0x0;
	_ =	sdelay $0x1  }
0xdb: {  	v3 =	vadd.s32 v3, v4;
	s31 =	spop (v2sf)  }
0xdc: {  	p0 =	sgt.u32 s17, $0x1FE;
	vm1 =	vlt.s32 v3, $0x200;
	s16 =	sadd.s32 s16, s31  }
0xdd: {  	vm0 =	vmand vm0, vm1;
	p1 =	slt.s32 @!p0 s16, s13  }
0xde: {  	p0 =	por p0, !p1  }
.Ltmp21:
0xdf: {  	_ = 	snop;
	(pc) =	sbr.rel @!p0 .LBB2_26-.Ltmp21, $3  }
0xe0: {  	_ =	sdelay $0x1  }
0xe1: {  	v63 =	vor.u32 s14, v1  }
0xe2: {  	s17 =	sadd.s32 $0x1, s17;
	s15 =	sadd.s32 $0x10, s15;
	s14 =	sadd.s32 $0x10, s14;
	[tilespmem:v3+s11+$0x0] =	vst.idx.msk vm0, v63  }
.Ltmp22:
0xe3: {  	_ = 	snop;
	(pc) =	sbr.rel .LBB2_27-.Ltmp22, $1  }
0xe4: {  	_ =	sdelay $0x3  }
.LBB2_28:
0xe5: {  	_ =	sfence.sel $0x180000  }
0xe6: {  	[bflag:$0x0] =	sbarrier.arrive $0xFFFF  }
0xe7: {  	p0 =	sne.s32 s1, $0x0;
	_ =	strace $0x90000047  }
0xe8: {  	s0 =	sadd.s32 @!p0 $0x100000, s0;
	[bflag:$0x2] =	sbarrier.arrive $0xFFFF  }
0xe9: {  	[sflag:s0] =	ssyncadd.tile.s32 @!p0 $0x1;
	_ =	shalt  }
.Lfunc_end2:
_tile_overlayer_lowered:
.L_overlay_start_2:
0xea: {  	(tag) =	ssettag $0x2  }
0xeb: {  	s0 =	rddreg [dreg:$0x0];
	s2 =	stileid.u32  }
0xec: {  	s1 =	rddreg [dreg:$0x1];
	p0 =	sne.s32 s2, $0x0  }
0xed: {  	s3 =	rddreg [dreg:$0x2];
	[bflag:$0x3] =	sbarrier.arrive $0xFFFF;
	s2 =	simm.s32 @!p0 $0x1C01  }
0xee: {  	[timem:s3], [sflag:s2] =	dma.local @!p0 [hbm:s0], s1  }
0xef: {  	s0 =	simm.s32 @!p0 $0x1  }
0xf0: {  	_ =	swait.ge @!p0 [sflag:s0], s1  }
0xf1: {  	s1 =	ssub.s32 @!p0 $0x0, s1;
	[sflag:s0] =	ssyncset.done @!p0 $0x0  }
0xf2: {  	[sflag:s0] =	ssyncadd.s32 @!p0 s1  }
0xf3: {  	[bflag:$0x3] =	sbarrier.arrive $0xFFFF  }
0xf4: {  	_ =	shalt  }

</sc_bundles>
